<compile_context>
chip_gen: v7x
topology: tpu7x:2x2x1
jax: 0.10.2.dev20260603
libtpu: 0.0.44.dev20260713+nightly
codegen_flags: <defaults>
</compile_context>

<pallas_src>
import functools

import jax
import jax.numpy as jnp
import numpy as np
from jax import lax
from jax.experimental import pallas as pl
from jax.experimental.pallas import tpu as pltpu
from jax.experimental.pallas import tpu_sc as plsc

NBINS = 20
NCH = 16
NPAIR = (NCH * (NCH - 1)) // 2
JBINS = NBINS * NBINS
HBINS = NPAIR * JBINS
PAIRS = tuple((i, j) for i in range(NCH) for j in range(i + 1, NCH))
NSUB = 32
NLANES = 16
_T = [i * 15 - (i * (i - 1)) // 2 for i in range(NCH)]
_OFFI = [JBINS * (_T[i] - i - 1) for i in range(NCH)]
LW = 128
FOLD = LW // NCH
_HP = jax.lax.Precision.HIGHEST


def _prep_body(nblk, x_ref, xt_ref, mm_ref, mn_ref, mx_ref):
    k = pl.program_id(0)

    @pl.when(k == 0)
    def _init():
        mn_ref[...] = jnp.full(mn_ref.shape, jnp.inf, jnp.float32)
        mx_ref[...] = jnp.full(mx_ref.shape, -jnp.inf, jnp.float32)

    xb = x_ref[...]
    xt_ref[...] = xb.T
    mn_ref[...] = jnp.minimum(mn_ref[...],
                              jnp.min(xb, axis=0, keepdims=True))
    mx_ref[...] = jnp.maximum(mx_ref[...],
                              jnp.max(xb, axis=0, keepdims=True))

    @pl.when(k == nblk - 1)
    def _fin():
        mm_ref[0:1, :] = mn_ref[...]
        mm_ref[1:2, :] = mx_ref[...]


def _make_hist_kernel(n):
    per = n // NSUB
    cs = min(4096, per)
    nchunks = per // cs
    groups = cs // NLANES
    mesh = plsc.VectorSubcoreMesh(core_axis_name="c", subcore_axis_name="s")

    @functools.partial(
        pl.kernel,
        mesh=mesh,
        compiler_params=pltpu.CompilerParams(needs_layout_passes=False),
        out_type=jax.ShapeDtypeStruct((NSUB, HBINS), jnp.float32),
        scratch_types=[
            pltpu.VMEM((NCH, cs), jnp.float32),
            pltpu.VMEM((2, NCH), jnp.float32),
            pltpu.VMEM((HBINS,), jnp.float32),
        ],
    )
    def hist_kernel(xt_hbm, mm_hbm, zeros_hbm, out_hbm, buf_v, mm_v, hist_v):
        cid = lax.axis_index("c")
        sid = lax.axis_index("s")
        wid = sid * 2 + cid
        base = wid * per
        pltpu.sync_copy(mm_hbm, mm_v)
        pltpu.sync_copy(zeros_hbm, hist_v)
        ones = jnp.full((NLANES,), 1.0, jnp.float32)
        lov = mm_v[0, pl.ds(0, NLANES)]
        hiv = mm_v[1, pl.ds(0, NLANES)]
        wv = (hiv - lov) / float(NBINS)
        los = [lov[c] for c in range(NCH)]
        ws = [wv[c] for c in range(NCH)]

        def chunk_body(t, carry):
            pltpu.sync_copy(xt_hbm.at[:, pl.ds(base + t * cs, cs)], buf_v)

            def group_body(g, c2):
                bv = []
                for c in range(NCH):
                    xv = buf_v[c, pl.ds(g * NLANES, NLANES)]
                    b = jnp.clip(((xv - los[c]) / ws[c]).astype(jnp.int32),
                                 0, NBINS - 1)
                    bv.append(b)
                uu = [bv[i] * NBINS + _OFFI[i] for i in range(NCH)]
                vv = [bv[j] + JBINS * j for j in range(NCH)]
                for (i, j) in PAIRS:
                    plsc.addupdate_scatter(hist_v, [uu[i] + vv[j]], ones)
                return c2

            lax.fori_loop(0, groups, group_body, 0)
            return carry

        lax.fori_loop(0, nchunks, chunk_body, 0)
        pltpu.sync_copy(hist_v, out_hbm.at[wid])

    return hist_kernel


def _final_body(ntot, part_ref, k1_ref, k1t_ref, k2_ref, k2t_ref,
                p1_ref, p2_ref, out_ref):
    J = jnp.sum(part_ref[...], axis=0)
    nf = float(ntot)
    mx = jnp.dot(J, k1_ref[...], preferred_element_type=jnp.float32,
                 precision=_HP)
    my = jnp.dot(J, k2_ref[...], preferred_element_type=jnp.float32,
                 precision=_HP)
    jp = J / nf
    pxe = jnp.dot(mx, k1t_ref[...], preferred_element_type=jnp.float32,
                  precision=_HP) / nf
    pye = jnp.dot(my, k2t_ref[...], preferred_element_type=jnp.float32,
                  precision=_HP) / nf
    M = jp * jnp.log(jp / (pxe * pye) + 1e-10)
    mi = jnp.sum(M, axis=1, keepdims=True)
    px = mx / nf
    py = my / nf
    entr = -jnp.sum(px * jnp.log(px + 1e-10), axis=1, keepdims=True)
    entc = -jnp.sum(py * jnp.log(py + 1e-10), axis=1, keepdims=True)
    vip = entr + entc - 2.0 * mi
    a1 = p1_ref[...] * vip
    a2 = p2_ref[...] * vip
    vi16 = (lax.dot_general(a1, p2_ref[...], (((0,), (0,)), ((), ())),
                            preferred_element_type=jnp.float32, precision=_HP)
            + lax.dot_general(a2, p1_ref[...], (((0,), (0,)), ((), ())),
                              preferred_element_type=jnp.float32,
                              precision=_HP))
    out_ref[...] = vi16


def _consts():
    c = np.arange(JBINS)
    k1 = (c[:, None] // NBINS == np.arange(NBINS)[None, :]).astype(np.float32)
    k2 = (c[:, None] % NBINS == np.arange(NBINS)[None, :]).astype(np.float32)
    p1 = np.zeros((NPAIR, NCH), np.float32)
    p2 = np.zeros((NPAIR, NCH), np.float32)
    for p, (i, j) in enumerate(PAIRS):
        p1[p, i] = 1.0
        p2[p, j] = 1.0
    return (jnp.asarray(k1), jnp.asarray(k1.T.copy()),
            jnp.asarray(k2), jnp.asarray(k2.T.copy()),
            jnp.asarray(p1), jnp.asarray(p2))


def kernel(inputs):
    B, T, A = inputs.shape
    n = B * T
    x = inputs.reshape(n, A)
    tblk = 4096 if n % 4096 == 0 else n
    nblk = n // tblk

    xt, mm = pl.pallas_call(
        functools.partial(_prep_body, nblk),
        grid=(nblk,),
        in_specs=[pl.BlockSpec((tblk, NCH), lambda k: (k, 0))],
        out_specs=[
            pl.BlockSpec((NCH, tblk), lambda k: (0, k)),
            pl.BlockSpec((2, NCH), lambda k: (0, 0)),
        ],
        out_shape=[
            jax.ShapeDtypeStruct((NCH, n), jnp.float32),
            jax.ShapeDtypeStruct((2, NCH), jnp.float32),
        ],
        scratch_shapes=[
            pltpu.VMEM((1, NCH), jnp.float32),
            pltpu.VMEM((1, NCH), jnp.float32),
        ],
        compiler_params=pltpu.CompilerParams(
            dimension_semantics=("arbitrary",)),
    )(x)

    partials = _make_hist_kernel(n)(
        xt, mm, jnp.zeros((HBINS,), jnp.float32))
    part3 = partials.reshape(NSUB, NPAIR, JBINS)

    k1, k1t, k2, k2t, p1, p2 = _consts()
    out16 = pl.pallas_call(
        functools.partial(_final_body, n),
        grid=(1,),
        in_specs=[
            pl.BlockSpec((NSUB, NPAIR, JBINS), lambda k: (0, 0, 0)),
            pl.BlockSpec((JBINS, NBINS), lambda k: (0, 0)),
            pl.BlockSpec((NBINS, JBINS), lambda k: (0, 0)),
            pl.BlockSpec((JBINS, NBINS), lambda k: (0, 0)),
            pl.BlockSpec((NBINS, JBINS), lambda k: (0, 0)),
            pl.BlockSpec((NPAIR, NCH), lambda k: (0, 0)),
            pl.BlockSpec((NPAIR, NCH), lambda k: (0, 0)),
        ],
        out_specs=pl.BlockSpec((NCH, NCH), lambda k: (0, 0)),
        out_shape=jax.ShapeDtypeStruct((NCH, NCH), jnp.float32),
    )(part3, k1, k1t, k2, k2t, p1, p2)
    return jnp.broadcast_to(out16[None, :, :], (B, A, A))

# --- scband reference (transcript-rebuilt; emitter-appended) ---
"""Pipeline reference for scband-variation-of-information-18820546691883 (READ-ONLY COPY).

The authoritative reference and input builder live on the scoring server;
editing this copy changes nothing except your own understanding.
"""

import jax, jax.numpy as jnp
import numpy as np

NBINS = 20

def _bin_idx(v):
    lo = v.min()
    hi = v.max()
    w = (hi - lo) / NBINS
    return jnp.clip(((v - lo) / w).astype(jnp.int32), 0, NBINS - 1)

def _entropy(x):
    idx = _bin_idx(x).ravel()
    hist = jnp.bincount(idx, length=NBINS).astype(jnp.float32)
    probs = hist / hist.sum()
    return -jnp.sum(probs * jnp.log(probs + 1e-10))

def _mutual_information(x, y):
    ix = _bin_idx(x).ravel()
    iy = _bin_idx(y).ravel()
    joint = jnp.bincount(ix * NBINS + iy, length=NBINS * NBINS).astype(jnp.float32).reshape(NBINS, NBINS)
    jp = joint / joint.sum()
    mx = jp.sum(axis=1)
    my = jp.sum(axis=0)
    return jnp.sum(jp * jnp.log(jp / (mx[:, None] * my[None, :]) + 1e-10))

def setup_inputs(seed: int = 0) -> dict:
    key = jax.random.key(seed)
    inputs = jax.random.normal(key, (8, 65536, 16), dtype=jnp.float32)
    return {"inputs": inputs}

def reference(inputs):
    B, T, A = inputs.shape
    vi_matrix = jnp.zeros((B, A, A), dtype=jnp.float32)
    for i in range(A):
        for j in range(i + 1, A):
            h_i = _entropy(inputs[:, :, i])
            h_j = _entropy(inputs[:, :, j])
            mi = _mutual_information(inputs[:, :, i], inputs[:, :, j])
            vi = h_i + h_j - 2.0 * mi
            vi_matrix = vi_matrix.at[:, i, j].set(vi)
            vi_matrix = vi_matrix.at[:, j, i].set(vi)
    return vi_matrix

if __name__ == "__main__":
    import jax
    _d = setup_inputs()
    print(jax.jit(kernel)(*tuple(_d.values())))

</pallas_src>

<mosaic_0001>
#map = affine_map<(d0, d1) -> (0, 0)>
#map1 = affine_map<(d0, d1) -> (0)>
module attributes {stable_mosaic.version = 14 : i64} {
  func.func @hist_kernel(%arg0: i32, %arg1: i32, %arg2: memref<16x524288xf32, #tpu.memory_space<hbm>>, %arg3: memref<2x16xf32, #tpu.memory_space<hbm>>, %arg4: memref<48000xf32, #tpu.memory_space<hbm>>, %arg5: memref<32x48000xf32, #tpu.memory_space<hbm>>, %arg6: memref<16x4096xf32, #tpu.memory_space<vmem>>, %arg7: memref<2x16xf32, #tpu.memory_space<vmem>>, %arg8: memref<48000xf32, #tpu.memory_space<vmem>>) attributes {dimension_semantics = [#tpu.dimension_semantics<core_parallel>, #tpu.dimension_semantics<subcore_parallel>], iteration_bounds = array<i64: 2, 16>, scalar_prefetch = 0 : i64, scratch_operands = 3 : i64, tpu.core_type = #tpu.core_type<sc_vector_subcore>, window_params = [{transform_indices = #map}, {transform_indices = #map}, {transform_indices = #map1}, {transform_indices = #map}]} {
    %mul3A = arith.constant 2 : i32
    %mul3A_0 = arith.muli %arg1, %mul3A : i32
    %add3A = arith.addi %mul3A_0, %arg0 : i32
    %mul3A_1 = arith.constant 16384 : i32
    %mul3A_2 = arith.muli %add3A, %mul3A_1 : i32
    "tpu.region"() ({
      %run_scoped3A = tpu.sem_alloc : memref<!tpu.dma_semaphore, #tpu.memory_space<semaphore_mem>>
      tpu.enqueue_dma source(%arg3 : memref<2x16xf32, #tpu.memory_space<hbm>>) target(%arg7 : memref<2x16xf32, #tpu.memory_space<vmem>>) target_semaphore(%run_scoped3A : memref<!tpu.dma_semaphore, #tpu.memory_space<semaphore_mem>>)
      tpu.wait_dma2 semaphore(%run_scoped3A : memref<!tpu.dma_semaphore, #tpu.memory_space<semaphore_mem>>) src(%arg3 : memref<2x16xf32, #tpu.memory_space<hbm>>) dst(%arg7 : memref<2x16xf32, #tpu.memory_space<vmem>>)
      tpu.yield
    }) : () -> ()
    "tpu.region"() ({
      %run_scoped3A = tpu.sem_alloc : memref<!tpu.dma_semaphore, #tpu.memory_space<semaphore_mem>>
      tpu.enqueue_dma source(%arg4 : memref<48000xf32, #tpu.memory_space<hbm>>) target(%arg8 : memref<48000xf32, #tpu.memory_space<vmem>>) target_semaphore(%run_scoped3A : memref<!tpu.dma_semaphore, #tpu.memory_space<semaphore_mem>>)
      tpu.wait_dma2 semaphore(%run_scoped3A : memref<!tpu.dma_semaphore, #tpu.memory_space<semaphore_mem>>) src(%arg4 : memref<48000xf32, #tpu.memory_space<hbm>>) dst(%arg8 : memref<48000xf32, #tpu.memory_space<vmem>>)
      tpu.yield
    }) : () -> ()
    %broadcast_in_dim3A = arith.constant 1.000000e+00 : f32
    %broadcast_in_dim3A_3 = vector.broadcast %broadcast_in_dim3A : f32 to vector<16xf32>
    %get3A = arith.constant 0 : i32
    %get3A_4 = arith.index_cast %get3A : i32 to index
    %get3A_5 = arith.constant 0 : index
    %get3A_6 = tpu.vector_load %arg7[%get3A_4, %get3A_5] {strides = array<i32>} : memref<2x16xf32, #tpu.memory_space<vmem>>, vector<16xf32>,
    %get3A_7 = arith.constant 1 : i32
    %get3A_8 = arith.index_cast %get3A_7 : i32 to index
    %get3A_9 = arith.constant 0 : index
    %get3A_10 = tpu.vector_load %arg7[%get3A_8, %get3A_9] {strides = array<i32>} : memref<2x16xf32, #tpu.memory_space<vmem>>, vector<16xf32>,
    %sub3A = arith.subf %get3A_10, %get3A_6 : vector<16xf32>
    %div3A = arith.constant 2.000000e+01 : f32
    %div3A_11 = vector.broadcast %div3A : f32 to vector<16xf32>
    %div3A_12 = arith.divf %sub3A, %div3A_11 : vector<16xf32>
    %slice3A = vector.extract_strided_slice %get3A_6 {offsets = [0], sizes = [1], strides = [1]} : vector<16xf32> to vector<1xf32>
    %squeeze3A = vector.extract %slice3A[0] : f32 from vector<1xf32>
    %slice3A_13 = vector.extract_strided_slice %get3A_6 {offsets = [1], sizes = [1], strides = [1]} : vector<16xf32> to vector<1xf32>
    %squeeze3A_14 = vector.extract %slice3A_13[0] : f32 from vector<1xf32>
    %slice3A_15 = vector.extract_strided_slice %get3A_6 {offsets = [2], sizes = [1], strides = [1]} : vector<16xf32> to vector<1xf32>
    %squeeze3A_16 = vector.extract %slice3A_15[0] : f32 from vector<1xf32>
    %slice3A_17 = vector.extract_strided_slice %get3A_6 {offsets = [3], sizes = [1], strides = [1]} : vector<16xf32> to vector<1xf32>
    %squeeze3A_18 = vector.extract %slice3A_17[0] : f32 from vector<1xf32>
    %slice3A_19 = vector.extract_strided_slice %get3A_6 {offsets = [4], sizes = [1], strides = [1]} : vector<16xf32> to vector<1xf32>
    %squeeze3A_20 = vector.extract %slice3A_19[0] : f32 from vector<1xf32>
    %slice3A_21 = vector.extract_strided_slice %get3A_6 {offsets = [5], sizes = [1], strides = [1]} : vector<16xf32> to vector<1xf32>
    %squeeze3A_22 = vector.extract %slice3A_21[0] : f32 from vector<1xf32>
    %slice3A_23 = vector.extract_strided_slice %get3A_6 {offsets = [6], sizes = [1], strides = [1]} : vector<16xf32> to vector<1xf32>
    %squeeze3A_24 = vector.extract %slice3A_23[0] : f32 from vector<1xf32>
    %slice3A_25 = vector.extract_strided_slice %get3A_6 {offsets = [7], sizes = [1], strides = [1]} : vector<16xf32> to vector<1xf32>
    %squeeze3A_26 = vector.extract %slice3A_25[0] : f32 from vector<1xf32>
    %slice3A_27 = vector.extract_strided_slice %get3A_6 {offsets = [8], sizes = [1], strides = [1]} : vector<16xf32> to vector<1xf32>
    %squeeze3A_28 = vector.extract %slice3A_27[0] : f32 from vector<1xf32>
    %slice3A_29 = vector.extract_strided_slice %get3A_6 {offsets = [9], sizes = [1], strides = [1]} : vector<16xf32> to vector<1xf32>
    %squeeze3A_30 = vector.extract %slice3A_29[0] : f32 from vector<1xf32>
    %slice3A_31 = vector.extract_strided_slice %get3A_6 {offsets = [10], sizes = [1], strides = [1]} : vector<16xf32> to vector<1xf32>
    %squeeze3A_32 = vector.extract %slice3A_31[0] : f32 from vector<1xf32>
    %slice3A_33 = vector.extract_strided_slice %get3A_6 {offsets = [11], sizes = [1], strides = [1]} : vector<16xf32> to vector<1xf32>
    %squeeze3A_34 = vector.extract %slice3A_33[0] : f32 from vector<1xf32>
    %slice3A_35 = vector.extract_strided_slice %get3A_6 {offsets = [12], sizes = [1], strides = [1]} : vector<16xf32> to vector<1xf32>
    %squeeze3A_36 = vector.extract %slice3A_35[0] : f32 from vector<1xf32>
    %slice3A_37 = vector.extract_strided_slice %get3A_6 {offsets = [13], sizes = [1], strides = [1]} : vector<16xf32> to vector<1xf32>
    %squeeze3A_38 = vector.extract %slice3A_37[0] : f32 from vector<1xf32>
    %slice3A_39 = vector.extract_strided_slice %get3A_6 {offsets = [14], sizes = [1], strides = [1]} : vector<16xf32> to vector<1xf32>
    %squeeze3A_40 = vector.extract %slice3A_39[0] : f32 from vector<1xf32>
    %slice3A_41 = vector.extract_strided_slice %get3A_6 {offsets = [15], sizes = [1], strides = [1]} : vector<16xf32> to vector<1xf32>
    %squeeze3A_42 = vector.extract %slice3A_41[0] : f32 from vector<1xf32>
    %slice3A_43 = vector.extract_strided_slice %div3A_12 {offsets = [0], sizes = [1], strides = [1]} : vector<16xf32> to vector<1xf32>
    %squeeze3A_44 = vector.extract %slice3A_43[0] : f32 from vector<1xf32>
    %slice3A_45 = vector.extract_strided_slice %div3A_12 {offsets = [1], sizes = [1], strides = [1]} : vector<16xf32> to vector<1xf32>
    %squeeze3A_46 = vector.extract %slice3A_45[0] : f32 from vector<1xf32>
    %slice3A_47 = vector.extract_strided_slice %div3A_12 {offsets = [2], sizes = [1], strides = [1]} : vector<16xf32> to vector<1xf32>
    %squeeze3A_48 = vector.extract %slice3A_47[0] : f32 from vector<1xf32>
    %slice3A_49 = vector.extract_strided_slice %div3A_12 {offsets = [3], sizes = [1], strides = [1]} : vector<16xf32> to vector<1xf32>
    %squeeze3A_50 = vector.extract %slice3A_49[0] : f32 from vector<1xf32>
    %slice3A_51 = vector.extract_strided_slice %div3A_12 {offsets = [4], sizes = [1], strides = [1]} : vector<16xf32> to vector<1xf32>
    %squeeze3A_52 = vector.extract %slice3A_51[0] : f32 from vector<1xf32>
    %slice3A_53 = vector.extract_strided_slice %div3A_12 {offsets = [5], sizes = [1], strides = [1]} : vector<16xf32> to vector<1xf32>
    %squeeze3A_54 = vector.extract %slice3A_53[0] : f32 from vector<1xf32>
    %slice3A_55 = vector.extract_strided_slice %div3A_12 {offsets = [6], sizes = [1], strides = [1]} : vector<16xf32> to vector<1xf32>
    %squeeze3A_56 = vector.extract %slice3A_55[0] : f32 from vector<1xf32>
    %slice3A_57 = vector.extract_strided_slice %div3A_12 {offsets = [7], sizes = [1], strides = [1]} : vector<16xf32> to vector<1xf32>
    %squeeze3A_58 = vector.extract %slice3A_57[0] : f32 from vector<1xf32>
    %slice3A_59 = vector.extract_strided_slice %div3A_12 {offsets = [8], sizes = [1], strides = [1]} : vector<16xf32> to vector<1xf32>
    %squeeze3A_60 = vector.extract %slice3A_59[0] : f32 from vector<1xf32>
    %slice3A_61 = vector.extract_strided_slice %div3A_12 {offsets = [9], sizes = [1], strides = [1]} : vector<16xf32> to vector<1xf32>
    %squeeze3A_62 = vector.extract %slice3A_61[0] : f32 from vector<1xf32>
    %slice3A_63 = vector.extract_strided_slice %div3A_12 {offsets = [10], sizes = [1], strides = [1]} : vector<16xf32> to vector<1xf32>
    %squeeze3A_64 = vector.extract %slice3A_63[0] : f32 from vector<1xf32>
    %slice3A_65 = vector.extract_strided_slice %div3A_12 {offsets = [11], sizes = [1], strides = [1]} : vector<16xf32> to vector<1xf32>
    %squeeze3A_66 = vector.extract %slice3A_65[0] : f32 from vector<1xf32>
    %slice3A_67 = vector.extract_strided_slice %div3A_12 {offsets = [12], sizes = [1], strides = [1]} : vector<16xf32> to vector<1xf32>
    %squeeze3A_68 = vector.extract %slice3A_67[0] : f32 from vector<1xf32>
    %slice3A_69 = vector.extract_strided_slice %div3A_12 {offsets = [13], sizes = [1], strides = [1]} : vector<16xf32> to vector<1xf32>
    %squeeze3A_70 = vector.extract %slice3A_69[0] : f32 from vector<1xf32>
    %slice3A_71 = vector.extract_strided_slice %div3A_12 {offsets = [14], sizes = [1], strides = [1]} : vector<16xf32> to vector<1xf32>
    %squeeze3A_72 = vector.extract %slice3A_71[0] : f32 from vector<1xf32>
    %slice3A_73 = vector.extract_strided_slice %div3A_12 {offsets = [15], sizes = [1], strides = [1]} : vector<16xf32> to vector<1xf32>
    %squeeze3A_74 = vector.extract %slice3A_73[0] : f32 from vector<1xf32>
    %scan3A = arith.constant 0 : i32
    %scan3A_75 = arith.constant 0 : i32
    %scan3A_76 = arith.constant 4 : i32
    %scan3A_77 = arith.addi %scan3A_75, %scan3A_76 : i32
    %scan3A_78 = arith.constant 1 : i32
    scf.for %scan3A_80 = %scan3A_75 to %scan3A_77 step %scan3A_78  : i32 {
      %mul3A_81 = arith.constant 4096 : i32
      %mul3A_82 = arith.muli %scan3A_80, %mul3A_81 : i32
      %add3A_83 = arith.addi %mul3A_2, %mul3A_82 : i32
      "tpu.region"() ({
        %run_scoped3A = tpu.sem_alloc : memref<!tpu.dma_semaphore, #tpu.memory_space<semaphore_mem>>
        %dma_start3A = arith.constant 0 : i32
        %dma_start3A_90 = tpu.memref_slice %arg2[%dma_start3A, %add3A_83] : memref<16x524288xf32, #tpu.memory_space<hbm>> -> memref<16x4096xf32, #tpu.memory_space<hbm>>
        %dma_start3A_91 = arith.constant 0 : i32
        %dma_start3A_92 = tpu.memref_slice %arg2[%dma_start3A_91, %add3A_83] : memref<16x524288xf32, #tpu.memory_space<hbm>> -> memref<16x4096xf32, #tpu.memory_space<hbm>>
        tpu.enqueue_dma source(%dma_start3A_92 : memref<16x4096xf32, #tpu.memory_space<hbm>>) target(%arg6 : memref<16x4096xf32, #tpu.memory_space<vmem>>) target_semaphore(%run_scoped3A : memref<!tpu.dma_semaphore, #tpu.memory_space<semaphore_mem>>)
        %dma_wait3A = arith.constant 0 : i32
        %dma_wait3A_93 = tpu.memref_slice %arg2[%dma_wait3A, %add3A_83] : memref<16x524288xf32, #tpu.memory_space<hbm>> -> memref<16x4096xf32, #tpu.memory_space<hbm>>
        %dma_wait3A_94 = arith.constant 0 : i32
        %dma_wait3A_95 = tpu.memref_slice %arg2[%dma_wait3A_94, %add3A_83] : memref<16x524288xf32, #tpu.memory_space<hbm>> -> memref<16x4096xf32, #tpu.memory_space<hbm>>
        tpu.wait_dma2 semaphore(%run_scoped3A : memref<!tpu.dma_semaphore, #tpu.memory_space<semaphore_mem>>) src(%dma_wait3A_95 : memref<16x4096xf32, #tpu.memory_space<hbm>>) dst(%arg6 : memref<16x4096xf32, #tpu.memory_space<vmem>>)
        tpu.yield
      }) : () -> ()
      %scan3A_84 = arith.constant 0 : i32
      %scan3A_85 = arith.constant 0 : i32
      %scan3A_86 = arith.constant 256 : i32
      %scan3A_87 = arith.addi %scan3A_85, %scan3A_86 : i32
      %scan3A_88 = arith.constant 1 : i32
      scf.for %scan3A_90 = %scan3A_85 to %scan3A_87 step %scan3A_88  : i32 {
        %mul3A_91 = arith.constant 16 : i32
        %mul3A_92 = arith.muli %scan3A_90, %mul3A_91 : i32
        %get3A_93 = arith.constant 0 : i32
        %get3A_94 = arith.index_cast %get3A_93 : i32 to index
        %get3A_95 = arith.index_cast %mul3A_92 : i32 to index
        %get3A_96 = tpu.vector_load %arg6[%get3A_94, %get3A_95] {strides = array<i32>} : memref<16x4096xf32, #tpu.memory_space<vmem>>, vector<16xf32>,
        %sub3A_97 = vector.broadcast %squeeze3A : f32 to vector<16xf32>
        %sub3A_98 = arith.subf %get3A_96, %sub3A_97 : vector<16xf32>
        %div3A_99 = vector.broadcast %squeeze3A_44 : f32 to vector<16xf32>
        %div3A_100 = arith.divf %sub3A_98, %div3A_99 : vector<16xf32>
        %convert_element_type3A = arith.fptosi %div3A_100 : vector<16xf32> to vector<16xi32>
        %jit3A = arith.constant 0 : i32
        %jit3A_101 = arith.constant 19 : i32
        %max3A = vector.broadcast %jit3A : i32 to vector<16xi32>
        %max3A_102 = arith.maxsi %max3A, %convert_element_type3A : vector<16xi32>
        %min3A = vector.broadcast %jit3A_101 : i32 to vector<16xi32>
        %min3A_103 = arith.minsi %min3A, %max3A_102 : vector<16xi32>
        %mul3A_104 = arith.constant 16 : i32
        %mul3A_105 = arith.muli %scan3A_90, %mul3A_104 : i32
        %get3A_106 = arith.constant 1 : i32
        %get3A_107 = arith.index_cast %get3A_106 : i32 to index
        %get3A_108 = arith.index_cast %mul3A_105 : i32 to index
        %get3A_109 = tpu.vector_load %arg6[%get3A_107, %get3A_108] {strides = array<i32>} : memref<16x4096xf32, #tpu.memory_space<vmem>>, vector<16xf32>,
        %sub3A_110 = vector.broadcast %squeeze3A_14 : f32 to vector<16xf32>
        %sub3A_111 = arith.subf %get3A_109, %sub3A_110 : vector<16xf32>
        %div3A_112 = vector.broadcast %squeeze3A_46 : f32 to vector<16xf32>
        %div3A_113 = arith.divf %sub3A_111, %div3A_112 : vector<16xf32>
        %convert_element_type3A_114 = arith.fptosi %div3A_113 : vector<16xf32> to vector<16xi32>
        %jit3A_115 = arith.constant 0 : i32
        %jit3A_116 = arith.constant 19 : i32
        %max3A_117 = vector.broadcast %jit3A_115 : i32 to vector<16xi32>
        %max3A_118 = arith.maxsi %max3A_117, %convert_element_type3A_114 : vector<16xi32>
        %min3A_119 = vector.broadcast %jit3A_116 : i32 to vector<16xi32>
        %min3A_120 = arith.minsi %min3A_119, %max3A_118 : vector<16xi32>
        %mul3A_121 = arith.constant 16 : i32
        %mul3A_122 = arith.muli %scan3A_90, %mul3A_121 : i32
        %get3A_123 = arith.constant 2 : i32
        %get3A_124 = arith.index_cast %get3A_123 : i32 to index
        %get3A_125 = arith.index_cast %mul3A_122 : i32 to index
        %get3A_126 = tpu.vector_load %arg6[%get3A_124, %get3A_125] {strides = array<i32>} : memref<16x4096xf32, #tpu.memory_space<vmem>>, vector<16xf32>,
        %sub3A_127 = vector.broadcast %squeeze3A_16 : f32 to vector<16xf32>
        %sub3A_128 = arith.subf %get3A_126, %sub3A_127 : vector<16xf32>
        %div3A_129 = vector.broadcast %squeeze3A_48 : f32 to vector<16xf32>
        %div3A_130 = arith.divf %sub3A_128, %div3A_129 : vector<16xf32>
        %convert_element_type3A_131 = arith.fptosi %div3A_130 : vector<16xf32> to vector<16xi32>
        %jit3A_132 = arith.constant 0 : i32
        %jit3A_133 = arith.constant 19 : i32
        %max3A_134 = vector.broadcast %jit3A_132 : i32 to vector<16xi32>
        %max3A_135 = arith.maxsi %max3A_134, %convert_element_type3A_131 : vector<16xi32>
        %min3A_136 = vector.broadcast %jit3A_133 : i32 to vector<16xi32>
        %min3A_137 = arith.minsi %min3A_136, %max3A_135 : vector<16xi32>
        %mul3A_138 = arith.constant 16 : i32
        %mul3A_139 = arith.muli %scan3A_90, %mul3A_138 : i32
        %get3A_140 = arith.constant 3 : i32
        %get3A_141 = arith.index_cast %get3A_140 : i32 to index
        %get3A_142 = arith.index_cast %mul3A_139 : i32 to index
        %get3A_143 = tpu.vector_load %arg6[%get3A_141, %get3A_142] {strides = array<i32>} : memref<16x4096xf32, #tpu.memory_space<vmem>>, vector<16xf32>,
        %sub3A_144 = vector.broadcast %squeeze3A_18 : f32 to vector<16xf32>
        %sub3A_145 = arith.subf %get3A_143, %sub3A_144 : vector<16xf32>
        %div3A_146 = vector.broadcast %squeeze3A_50 : f32 to vector<16xf32>
        %div3A_147 = arith.divf %sub3A_145, %div3A_146 : vector<16xf32>
        %convert_element_type3A_148 = arith.fptosi %div3A_147 : vector<16xf32> to vector<16xi32>
        %jit3A_149 = arith.constant 0 : i32
        %jit3A_150 = arith.constant 19 : i32
        %max3A_151 = vector.broadcast %jit3A_149 : i32 to vector<16xi32>
        %max3A_152 = arith.maxsi %max3A_151, %convert_element_type3A_148 : vector<16xi32>
        %min3A_153 = vector.broadcast %jit3A_150 : i32 to vector<16xi32>
        %min3A_154 = arith.minsi %min3A_153, %max3A_152 : vector<16xi32>
        %mul3A_155 = arith.constant 16 : i32
        %mul3A_156 = arith.muli %scan3A_90, %mul3A_155 : i32
        %get3A_157 = arith.constant 4 : i32
        %get3A_158 = arith.index_cast %get3A_157 : i32 to index
        %get3A_159 = arith.index_cast %mul3A_156 : i32 to index
        %get3A_160 = tpu.vector_load %arg6[%get3A_158, %get3A_159] {strides = array<i32>} : memref<16x4096xf32, #tpu.memory_space<vmem>>, vector<16xf32>,
        %sub3A_161 = vector.broadcast %squeeze3A_20 : f32 to vector<16xf32>
        %sub3A_162 = arith.subf %get3A_160, %sub3A_161 : vector<16xf32>
        %div3A_163 = vector.broadcast %squeeze3A_52 : f32 to vector<16xf32>
        %div3A_164 = arith.divf %sub3A_162, %div3A_163 : vector<16xf32>
        %convert_element_type3A_165 = arith.fptosi %div3A_164 : vector<16xf32> to vector<16xi32>
        %jit3A_166 = arith.constant 0 : i32
        %jit3A_167 = arith.constant 19 : i32
        %max3A_168 = vector.broadcast %jit3A_166 : i32 to vector<16xi32>
        %max3A_169 = arith.maxsi %max3A_168, %convert_element_type3A_165 : vector<16xi32>
        %min3A_170 = vector.broadcast %jit3A_167 : i32 to vector<16xi32>
        %min3A_171 = arith.minsi %min3A_170, %max3A_169 : vector<16xi32>
        %mul3A_172 = arith.constant 16 : i32
        %mul3A_173 = arith.muli %scan3A_90, %mul3A_172 : i32
        %get3A_174 = arith.constant 5 : i32
        %get3A_175 = arith.index_cast %get3A_174 : i32 to index
        %get3A_176 = arith.index_cast %mul3A_173 : i32 to index
        %get3A_177 = tpu.vector_load %arg6[%get3A_175, %get3A_176] {strides = array<i32>} : memref<16x4096xf32, #tpu.memory_space<vmem>>, vector<16xf32>,
        %sub3A_178 = vector.broadcast %squeeze3A_22 : f32 to vector<16xf32>
        %sub3A_179 = arith.subf %get3A_177, %sub3A_178 : vector<16xf32>
        %div3A_180 = vector.broadcast %squeeze3A_54 : f32 to vector<16xf32>
        %div3A_181 = arith.divf %sub3A_179, %div3A_180 : vector<16xf32>
        %convert_element_type3A_182 = arith.fptosi %div3A_181 : vector<16xf32> to vector<16xi32>
        %jit3A_183 = arith.constant 0 : i32
        %jit3A_184 = arith.constant 19 : i32
        %max3A_185 = vector.broadcast %jit3A_183 : i32 to vector<16xi32>
        %max3A_186 = arith.maxsi %max3A_185, %convert_element_type3A_182 : vector<16xi32>
        %min3A_187 = vector.broadcast %jit3A_184 : i32 to vector<16xi32>
        %min3A_188 = arith.minsi %min3A_187, %max3A_186 : vector<16xi32>
        %mul3A_189 = arith.constant 16 : i32
        %mul3A_190 = arith.muli %scan3A_90, %mul3A_189 : i32
        %get3A_191 = arith.constant 6 : i32
        %get3A_192 = arith.index_cast %get3A_191 : i32 to index
        %get3A_193 = arith.index_cast %mul3A_190 : i32 to index
        %get3A_194 = tpu.vector_load %arg6[%get3A_192, %get3A_193] {strides = array<i32>} : memref<16x4096xf32, #tpu.memory_space<vmem>>, vector<16xf32>,
        %sub3A_195 = vector.broadcast %squeeze3A_24 : f32 to vector<16xf32>
        %sub3A_196 = arith.subf %get3A_194, %sub3A_195 : vector<16xf32>
        %div3A_197 = vector.broadcast %squeeze3A_56 : f32 to vector<16xf32>
        %div3A_198 = arith.divf %sub3A_196, %div3A_197 : vector<16xf32>
        %convert_element_type3A_199 = arith.fptosi %div3A_198 : vector<16xf32> to vector<16xi32>
        %jit3A_200 = arith.constant 0 : i32
        %jit3A_201 = arith.constant 19 : i32
        %max3A_202 = vector.broadcast %jit3A_200 : i32 to vector<16xi32>
        %max3A_203 = arith.maxsi %max3A_202, %convert_element_type3A_199 : vector<16xi32>
        %min3A_204 = vector.broadcast %jit3A_201 : i32 to vector<16xi32>
        %min3A_205 = arith.minsi %min3A_204, %max3A_203 : vector<16xi32>
        %mul3A_206 = arith.constant 16 : i32
        %mul3A_207 = arith.muli %scan3A_90, %mul3A_206 : i32
        %get3A_208 = arith.constant 7 : i32
        %get3A_209 = arith.index_cast %get3A_208 : i32 to index
        %get3A_210 = arith.index_cast %mul3A_207 : i32 to index
        %get3A_211 = tpu.vector_load %arg6[%get3A_209, %get3A_210] {strides = array<i32>} : memref<16x4096xf32, #tpu.memory_space<vmem>>, vector<16xf32>,
        %sub3A_212 = vector.broadcast %squeeze3A_26 : f32 to vector<16xf32>
        %sub3A_213 = arith.subf %get3A_211, %sub3A_212 : vector<16xf32>
        %div3A_214 = vector.broadcast %squeeze3A_58 : f32 to vector<16xf32>
        %div3A_215 = arith.divf %sub3A_213, %div3A_214 : vector<16xf32>
        %convert_element_type3A_216 = arith.fptosi %div3A_215 : vector<16xf32> to vector<16xi32>
        %jit3A_217 = arith.constant 0 : i32
        %jit3A_218 = arith.constant 19 : i32
        %max3A_219 = vector.broadcast %jit3A_217 : i32 to vector<16xi32>
        %max3A_220 = arith.maxsi %max3A_219, %convert_element_type3A_216 : vector<16xi32>
        %min3A_221 = vector.broadcast %jit3A_218 : i32 to vector<16xi32>
        %min3A_222 = arith.minsi %min3A_221, %max3A_220 : vector<16xi32>
        %mul3A_223 = arith.constant 16 : i32
        %mul3A_224 = arith.muli %scan3A_90, %mul3A_223 : i32
        %get3A_225 = arith.constant 8 : i32
        %get3A_226 = arith.index_cast %get3A_225 : i32 to index
        %get3A_227 = arith.index_cast %mul3A_224 : i32 to index
        %get3A_228 = tpu.vector_load %arg6[%get3A_226, %get3A_227] {strides = array<i32>} : memref<16x4096xf32, #tpu.memory_space<vmem>>, vector<16xf32>,
        %sub3A_229 = vector.broadcast %squeeze3A_28 : f32 to vector<16xf32>
        %sub3A_230 = arith.subf %get3A_228, %sub3A_229 : vector<16xf32>
        %div3A_231 = vector.broadcast %squeeze3A_60 : f32 to vector<16xf32>
        %div3A_232 = arith.divf %sub3A_230, %div3A_231 : vector<16xf32>
        %convert_element_type3A_233 = arith.fptosi %div3A_232 : vector<16xf32> to vector<16xi32>
        %jit3A_234 = arith.constant 0 : i32
        %jit3A_235 = arith.constant 19 : i32
        %max3A_236 = vector.broadcast %jit3A_234 : i32 to vector<16xi32>
        %max3A_237 = arith.maxsi %max3A_236, %convert_element_type3A_233 : vector<16xi32>
        %min3A_238 = vector.broadcast %jit3A_235 : i32 to vector<16xi32>
        %min3A_239 = arith.minsi %min3A_238, %max3A_237 : vector<16xi32>
        %mul3A_240 = arith.constant 16 : i32
        %mul3A_241 = arith.muli %scan3A_90, %mul3A_240 : i32
        %get3A_242 = arith.constant 9 : i32
        %get3A_243 = arith.index_cast %get3A_242 : i32 to index
        %get3A_244 = arith.index_cast %mul3A_241 : i32 to index
        %get3A_245 = tpu.vector_load %arg6[%get3A_243, %get3A_244] {strides = array<i32>} : memref<16x4096xf32, #tpu.memory_space<vmem>>, vector<16xf32>,
        %sub3A_246 = vector.broadcast %squeeze3A_30 : f32 to vector<16xf32>
        %sub3A_247 = arith.subf %get3A_245, %sub3A_246 : vector<16xf32>
        %div3A_248 = vector.broadcast %squeeze3A_62 : f32 to vector<16xf32>
        %div3A_249 = arith.divf %sub3A_247, %div3A_248 : vector<16xf32>
        %convert_element_type3A_250 = arith.fptosi %div3A_249 : vector<16xf32> to vector<16xi32>
        %jit3A_251 = arith.constant 0 : i32
        %jit3A_252 = arith.constant 19 : i32
        %max3A_253 = vector.broadcast %jit3A_251 : i32 to vector<16xi32>
        %max3A_254 = arith.maxsi %max3A_253, %convert_element_type3A_250 : vector<16xi32>
        %min3A_255 = vector.broadcast %jit3A_252 : i32 to vector<16xi32>
        %min3A_256 = arith.minsi %min3A_255, %max3A_254 : vector<16xi32>
        %mul3A_257 = arith.constant 16 : i32
        %mul3A_258 = arith.muli %scan3A_90, %mul3A_257 : i32
        %get3A_259 = arith.constant 10 : i32
        %get3A_260 = arith.index_cast %get3A_259 : i32 to index
        %get3A_261 = arith.index_cast %mul3A_258 : i32 to index
        %get3A_262 = tpu.vector_load %arg6[%get3A_260, %get3A_261] {strides = array<i32>} : memref<16x4096xf32, #tpu.memory_space<vmem>>, vector<16xf32>,
        %sub3A_263 = vector.broadcast %squeeze3A_32 : f32 to vector<16xf32>
        %sub3A_264 = arith.subf %get3A_262, %sub3A_263 : vector<16xf32>
        %div3A_265 = vector.broadcast %squeeze3A_64 : f32 to vector<16xf32>
        %div3A_266 = arith.divf %sub3A_264, %div3A_265 : vector<16xf32>
        %convert_element_type3A_267 = arith.fptosi %div3A_266 : vector<16xf32> to vector<16xi32>
        %jit3A_268 = arith.constant 0 : i32
        %jit3A_269 = arith.constant 19 : i32
        %max3A_270 = vector.broadcast %jit3A_268 : i32 to vector<16xi32>
        %max3A_271 = arith.maxsi %max3A_270, %convert_element_type3A_267 : vector<16xi32>
        %min3A_272 = vector.broadcast %jit3A_269 : i32 to vector<16xi32>
        %min3A_273 = arith.minsi %min3A_272, %max3A_271 : vector<16xi32>
        %mul3A_274 = arith.constant 16 : i32
        %mul3A_275 = arith.muli %scan3A_90, %mul3A_274 : i32
        %get3A_276 = arith.constant 11 : i32
        %get3A_277 = arith.index_cast %get3A_276 : i32 to index
        %get3A_278 = arith.index_cast %mul3A_275 : i32 to index
        %get3A_279 = tpu.vector_load %arg6[%get3A_277, %get3A_278] {strides = array<i32>} : memref<16x4096xf32, #tpu.memory_space<vmem>>, vector<16xf32>,
        %sub3A_280 = vector.broadcast %squeeze3A_34 : f32 to vector<16xf32>
        %sub3A_281 = arith.subf %get3A_279, %sub3A_280 : vector<16xf32>
        %div3A_282 = vector.broadcast %squeeze3A_66 : f32 to vector<16xf32>
        %div3A_283 = arith.divf %sub3A_281, %div3A_282 : vector<16xf32>
        %convert_element_type3A_284 = arith.fptosi %div3A_283 : vector<16xf32> to vector<16xi32>
        %jit3A_285 = arith.constant 0 : i32
        %jit3A_286 = arith.constant 19 : i32
        %max3A_287 = vector.broadcast %jit3A_285 : i32 to vector<16xi32>
        %max3A_288 = arith.maxsi %max3A_287, %convert_element_type3A_284 : vector<16xi32>
        %min3A_289 = vector.broadcast %jit3A_286 : i32 to vector<16xi32>
        %min3A_290 = arith.minsi %min3A_289, %max3A_288 : vector<16xi32>
        %mul3A_291 = arith.constant 16 : i32
        %mul3A_292 = arith.muli %scan3A_90, %mul3A_291 : i32
        %get3A_293 = arith.constant 12 : i32
        %get3A_294 = arith.index_cast %get3A_293 : i32 to index
        %get3A_295 = arith.index_cast %mul3A_292 : i32 to index
        %get3A_296 = tpu.vector_load %arg6[%get3A_294, %get3A_295] {strides = array<i32>} : memref<16x4096xf32, #tpu.memory_space<vmem>>, vector<16xf32>,
        %sub3A_297 = vector.broadcast %squeeze3A_36 : f32 to vector<16xf32>
        %sub3A_298 = arith.subf %get3A_296, %sub3A_297 : vector<16xf32>
        %div3A_299 = vector.broadcast %squeeze3A_68 : f32 to vector<16xf32>
        %div3A_300 = arith.divf %sub3A_298, %div3A_299 : vector<16xf32>
        %convert_element_type3A_301 = arith.fptosi %div3A_300 : vector<16xf32> to vector<16xi32>
        %jit3A_302 = arith.constant 0 : i32
        %jit3A_303 = arith.constant 19 : i32
        %max3A_304 = vector.broadcast %jit3A_302 : i32 to vector<16xi32>
        %max3A_305 = arith.maxsi %max3A_304, %convert_element_type3A_301 : vector<16xi32>
        %min3A_306 = vector.broadcast %jit3A_303 : i32 to vector<16xi32>
        %min3A_307 = arith.minsi %min3A_306, %max3A_305 : vector<16xi32>
        %mul3A_308 = arith.constant 16 : i32
        %mul3A_309 = arith.muli %scan3A_90, %mul3A_308 : i32
        %get3A_310 = arith.constant 13 : i32
        %get3A_311 = arith.index_cast %get3A_310 : i32 to index
        %get3A_312 = arith.index_cast %mul3A_309 : i32 to index
        %get3A_313 = tpu.vector_load %arg6[%get3A_311, %get3A_312] {strides = array<i32>} : memref<16x4096xf32, #tpu.memory_space<vmem>>, vector<16xf32>,
        %sub3A_314 = vector.broadcast %squeeze3A_38 : f32 to vector<16xf32>
        %sub3A_315 = arith.subf %get3A_313, %sub3A_314 : vector<16xf32>
        %div3A_316 = vector.broadcast %squeeze3A_70 : f32 to vector<16xf32>
        %div3A_317 = arith.divf %sub3A_315, %div3A_316 : vector<16xf32>
        %convert_element_type3A_318 = arith.fptosi %div3A_317 : vector<16xf32> to vector<16xi32>
        %jit3A_319 = arith.constant 0 : i32
        %jit3A_320 = arith.constant 19 : i32
        %max3A_321 = vector.broadcast %jit3A_319 : i32 to vector<16xi32>
        %max3A_322 = arith.maxsi %max3A_321, %convert_element_type3A_318 : vector<16xi32>
        %min3A_323 = vector.broadcast %jit3A_320 : i32 to vector<16xi32>
        %min3A_324 = arith.minsi %min3A_323, %max3A_322 : vector<16xi32>
        %mul3A_325 = arith.constant 16 : i32
        %mul3A_326 = arith.muli %scan3A_90, %mul3A_325 : i32
        %get3A_327 = arith.constant 14 : i32
        %get3A_328 = arith.index_cast %get3A_327 : i32 to index
        %get3A_329 = arith.index_cast %mul3A_326 : i32 to index
        %get3A_330 = tpu.vector_load %arg6[%get3A_328, %get3A_329] {strides = array<i32>} : memref<16x4096xf32, #tpu.memory_space<vmem>>, vector<16xf32>,
        %sub3A_331 = vector.broadcast %squeeze3A_40 : f32 to vector<16xf32>
        %sub3A_332 = arith.subf %get3A_330, %sub3A_331 : vector<16xf32>
        %div3A_333 = vector.broadcast %squeeze3A_72 : f32 to vector<16xf32>
        %div3A_334 = arith.divf %sub3A_332, %div3A_333 : vector<16xf32>
        %convert_element_type3A_335 = arith.fptosi %div3A_334 : vector<16xf32> to vector<16xi32>
        %jit3A_336 = arith.constant 0 : i32
        %jit3A_337 = arith.constant 19 : i32
        %max3A_338 = vector.broadcast %jit3A_336 : i32 to vector<16xi32>
        %max3A_339 = arith.maxsi %max3A_338, %convert_element_type3A_335 : vector<16xi32>
        %min3A_340 = vector.broadcast %jit3A_337 : i32 to vector<16xi32>
        %min3A_341 = arith.minsi %min3A_340, %max3A_339 : vector<16xi32>
        %mul3A_342 = arith.constant 16 : i32
        %mul3A_343 = arith.muli %scan3A_90, %mul3A_342 : i32
        %get3A_344 = arith.constant 15 : i32
        %get3A_345 = arith.index_cast %get3A_344 : i32 to index
        %get3A_346 = arith.index_cast %mul3A_343 : i32 to index
        %get3A_347 = tpu.vector_load %arg6[%get3A_345, %get3A_346] {strides = array<i32>} : memref<16x4096xf32, #tpu.memory_space<vmem>>, vector<16xf32>,
        %sub3A_348 = vector.broadcast %squeeze3A_42 : f32 to vector<16xf32>
        %sub3A_349 = arith.subf %get3A_347, %sub3A_348 : vector<16xf32>
        %div3A_350 = vector.broadcast %squeeze3A_74 : f32 to vector<16xf32>
        %div3A_351 = arith.divf %sub3A_349, %div3A_350 : vector<16xf32>
        %convert_element_type3A_352 = arith.fptosi %div3A_351 : vector<16xf32> to vector<16xi32>
        %jit3A_353 = arith.constant 0 : i32
        %jit3A_354 = arith.constant 19 : i32
        %max3A_355 = vector.broadcast %jit3A_353 : i32 to vector<16xi32>
        %max3A_356 = arith.maxsi %max3A_355, %convert_element_type3A_352 : vector<16xi32>
        %min3A_357 = vector.broadcast %jit3A_354 : i32 to vector<16xi32>
        %min3A_358 = arith.minsi %min3A_357, %max3A_356 : vector<16xi32>
        %mul3A_359 = arith.constant 20 : i32
        %mul3A_360 = vector.broadcast %mul3A_359 : i32 to vector<16xi32>
        %mul3A_361 = arith.muli %min3A_103, %mul3A_360 : vector<16xi32>
        %add3A_362 = arith.constant -400 : i32
        %add3A_363 = vector.broadcast %add3A_362 : i32 to vector<16xi32>
        %add3A_364 = arith.addi %mul3A_361, %add3A_363 : vector<16xi32>
        %mul3A_365 = arith.constant 20 : i32
        %mul3A_366 = vector.broadcast %mul3A_365 : i32 to vector<16xi32>
        %mul3A_367 = arith.muli %min3A_120, %mul3A_366 : vector<16xi32>
        %add3A_368 = arith.constant 5200 : i32
        %add3A_369 = vector.broadcast %add3A_368 : i32 to vector<16xi32>
        %add3A_370 = arith.addi %mul3A_367, %add3A_369 : vector<16xi32>
        %mul3A_371 = arith.constant 20 : i32
        %mul3A_372 = vector.broadcast %mul3A_371 : i32 to vector<16xi32>
        %mul3A_373 = arith.muli %min3A_137, %mul3A_372 : vector<16xi32>
        %add3A_374 = arith.constant 10400 : i32
        %add3A_375 = vector.broadcast %add3A_374 : i32 to vector<16xi32>
        %add3A_376 = arith.addi %mul3A_373, %add3A_375 : vector<16xi32>
        %mul3A_377 = arith.constant 20 : i32
        %mul3A_378 = vector.broadcast %mul3A_377 : i32 to vector<16xi32>
        %mul3A_379 = arith.muli %min3A_154, %mul3A_378 : vector<16xi32>
        %add3A_380 = arith.constant 15200 : i32
        %add3A_381 = vector.broadcast %add3A_380 : i32 to vector<16xi32>
        %add3A_382 = arith.addi %mul3A_379, %add3A_381 : vector<16xi32>
        %mul3A_383 = arith.constant 20 : i32
        %mul3A_384 = vector.broadcast %mul3A_383 : i32 to vector<16xi32>
        %mul3A_385 = arith.muli %min3A_171, %mul3A_384 : vector<16xi32>
        %add3A_386 = arith.constant 19600 : i32
        %add3A_387 = vector.broadcast %add3A_386 : i32 to vector<16xi32>
        %add3A_388 = arith.addi %mul3A_385, %add3A_387 : vector<16xi32>
        %mul3A_389 = arith.constant 20 : i32
        %mul3A_390 = vector.broadcast %mul3A_389 : i32 to vector<16xi32>
        %mul3A_391 = arith.muli %min3A_188, %mul3A_390 : vector<16xi32>
        %add3A_392 = arith.constant 23600 : i32
        %add3A_393 = vector.broadcast %add3A_392 : i32 to vector<16xi32>
        %add3A_394 = arith.addi %mul3A_391, %add3A_393 : vector<16xi32>
        %mul3A_395 = arith.constant 20 : i32
        %mul3A_396 = vector.broadcast %mul3A_395 : i32 to vector<16xi32>
        %mul3A_397 = arith.muli %min3A_205, %mul3A_396 : vector<16xi32>
        %add3A_398 = arith.constant 27200 : i32
        %add3A_399 = vector.broadcast %add3A_398 : i32 to vector<16xi32>
        %add3A_400 = arith.addi %mul3A_397, %add3A_399 : vector<16xi32>
        %mul3A_401 = arith.constant 20 : i32
        %mul3A_402 = vector.broadcast %mul3A_401 : i32 to vector<16xi32>
        %mul3A_403 = arith.muli %min3A_222, %mul3A_402 : vector<16xi32>
        %add3A_404 = arith.constant 30400 : i32
        %add3A_405 = vector.broadcast %add3A_404 : i32 to vector<16xi32>
        %add3A_406 = arith.addi %mul3A_403, %add3A_405 : vector<16xi32>
        %mul3A_407 = arith.constant 20 : i32
        %mul3A_408 = vector.broadcast %mul3A_407 : i32 to vector<16xi32>
        %mul3A_409 = arith.muli %min3A_239, %mul3A_408 : vector<16xi32>
        %add3A_410 = arith.constant 33200 : i32
        %add3A_411 = vector.broadcast %add3A_410 : i32 to vector<16xi32>
        %add3A_412 = arith.addi %mul3A_409, %add3A_411 : vector<16xi32>
        %mul3A_413 = arith.constant 20 : i32
        %mul3A_414 = vector.broadcast %mul3A_413 : i32 to vector<16xi32>
        %mul3A_415 = arith.muli %min3A_256, %mul3A_414 : vector<16xi32>
        %add3A_416 = arith.constant 35600 : i32
        %add3A_417 = vector.broadcast %add3A_416 : i32 to vector<16xi32>
        %add3A_418 = arith.addi %mul3A_415, %add3A_417 : vector<16xi32>
        %mul3A_419 = arith.constant 20 : i32
        %mul3A_420 = vector.broadcast %mul3A_419 : i32 to vector<16xi32>
        %mul3A_421 = arith.muli %min3A_273, %mul3A_420 : vector<16xi32>
        %add3A_422 = arith.constant 37600 : i32
        %add3A_423 = vector.broadcast %add3A_422 : i32 to vector<16xi32>
        %add3A_424 = arith.addi %mul3A_421, %add3A_423 : vector<16xi32>
        %mul3A_425 = arith.constant 20 : i32
        %mul3A_426 = vector.broadcast %mul3A_425 : i32 to vector<16xi32>
        %mul3A_427 = arith.muli %min3A_290, %mul3A_426 : vector<16xi32>
        %add3A_428 = arith.constant 39200 : i32
        %add3A_429 = vector.broadcast %add3A_428 : i32 to vector<16xi32>
        %add3A_430 = arith.addi %mul3A_427, %add3A_429 : vector<16xi32>
        %mul3A_431 = arith.constant 20 : i32
        %mul3A_432 = vector.broadcast %mul3A_431 : i32 to vector<16xi32>
        %mul3A_433 = arith.muli %min3A_307, %mul3A_432 : vector<16xi32>
        %add3A_434 = arith.constant 40400 : i32
        %add3A_435 = vector.broadcast %add3A_434 : i32 to vector<16xi32>
        %add3A_436 = arith.addi %mul3A_433, %add3A_435 : vector<16xi32>
        %mul3A_437 = arith.constant 20 : i32
        %mul3A_438 = vector.broadcast %mul3A_437 : i32 to vector<16xi32>
        %mul3A_439 = arith.muli %min3A_324, %mul3A_438 : vector<16xi32>
        %add3A_440 = arith.constant 41200 : i32
        %add3A_441 = vector.broadcast %add3A_440 : i32 to vector<16xi32>
        %add3A_442 = arith.addi %mul3A_439, %add3A_441 : vector<16xi32>
        %mul3A_443 = arith.constant 20 : i32
        %mul3A_444 = vector.broadcast %mul3A_443 : i32 to vector<16xi32>
        %mul3A_445 = arith.muli %min3A_341, %mul3A_444 : vector<16xi32>
        %add3A_446 = arith.constant 41600 : i32
        %add3A_447 = vector.broadcast %add3A_446 : i32 to vector<16xi32>
        %add3A_448 = arith.addi %mul3A_445, %add3A_447 : vector<16xi32>
        %mul3A_449 = arith.constant 20 : i32
        %mul3A_450 = vector.broadcast %mul3A_449 : i32 to vector<16xi32>
        %mul3A_451 = arith.muli %min3A_358, %mul3A_450 : vector<16xi32>
        %add3A_452 = arith.constant 41600 : i32
        %add3A_453 = vector.broadcast %add3A_452 : i32 to vector<16xi32>
        %add3A_454 = arith.addi %mul3A_451, %add3A_453 : vector<16xi32>
        %add3A_455 = arith.constant 0 : i32
        %add3A_456 = vector.broadcast %add3A_455 : i32 to vector<16xi32>
        %add3A_457 = arith.addi %min3A_103, %add3A_456 : vector<16xi32>
        %add3A_458 = arith.constant 400 : i32
        %add3A_459 = vector.broadcast %add3A_458 : i32 to vector<16xi32>
        %add3A_460 = arith.addi %min3A_120, %add3A_459 : vector<16xi32>
        %add3A_461 = arith.constant 800 : i32
        %add3A_462 = vector.broadcast %add3A_461 : i32 to vector<16xi32>
        %add3A_463 = arith.addi %min3A_137, %add3A_462 : vector<16xi32>
        %add3A_464 = arith.constant 1200 : i32
        %add3A_465 = vector.broadcast %add3A_464 : i32 to vector<16xi32>
        %add3A_466 = arith.addi %min3A_154, %add3A_465 : vector<16xi32>
        %add3A_467 = arith.constant 1600 : i32
        %add3A_468 = vector.broadcast %add3A_467 : i32 to vector<16xi32>
        %add3A_469 = arith.addi %min3A_171, %add3A_468 : vector<16xi32>
        %add3A_470 = arith.constant 2000 : i32
        %add3A_471 = vector.broadcast %add3A_470 : i32 to vector<16xi32>
        %add3A_472 = arith.addi %min3A_188, %add3A_471 : vector<16xi32>
        %add3A_473 = arith.constant 2400 : i32
        %add3A_474 = vector.broadcast %add3A_473 : i32 to vector<16xi32>
        %add3A_475 = arith.addi %min3A_205, %add3A_474 : vector<16xi32>
        %add3A_476 = arith.constant 2800 : i32
        %add3A_477 = vector.broadcast %add3A_476 : i32 to vector<16xi32>
        %add3A_478 = arith.addi %min3A_222, %add3A_477 : vector<16xi32>
        %add3A_479 = arith.constant 3200 : i32
        %add3A_480 = vector.broadcast %add3A_479 : i32 to vector<16xi32>
        %add3A_481 = arith.addi %min3A_239, %add3A_480 : vector<16xi32>
        %add3A_482 = arith.constant 3600 : i32
        %add3A_483 = vector.broadcast %add3A_482 : i32 to vector<16xi32>
        %add3A_484 = arith.addi %min3A_256, %add3A_483 : vector<16xi32>
        %add3A_485 = arith.constant 4000 : i32
        %add3A_486 = vector.broadcast %add3A_485 : i32 to vector<16xi32>
        %add3A_487 = arith.addi %min3A_273, %add3A_486 : vector<16xi32>
        %add3A_488 = arith.constant 4400 : i32
        %add3A_489 = vector.broadcast %add3A_488 : i32 to vector<16xi32>
        %add3A_490 = arith.addi %min3A_290, %add3A_489 : vector<16xi32>
        %add3A_491 = arith.constant 4800 : i32
        %add3A_492 = vector.broadcast %add3A_491 : i32 to vector<16xi32>
        %add3A_493 = arith.addi %min3A_307, %add3A_492 : vector<16xi32>
        %add3A_494 = arith.constant 5200 : i32
        %add3A_495 = vector.broadcast %add3A_494 : i32 to vector<16xi32>
        %add3A_496 = arith.addi %min3A_324, %add3A_495 : vector<16xi32>
        %add3A_497 = arith.constant 5600 : i32
        %add3A_498 = vector.broadcast %add3A_497 : i32 to vector<16xi32>
        %add3A_499 = arith.addi %min3A_341, %add3A_498 : vector<16xi32>
        %add3A_500 = arith.constant 6000 : i32
        %add3A_501 = vector.broadcast %add3A_500 : i32 to vector<16xi32>
        %add3A_502 = arith.addi %min3A_358, %add3A_501 : vector<16xi32>
        %add3A_503 = arith.addi %add3A_364, %add3A_460 : vector<16xi32>
        tpu.vector_store_idx %arg8[%add3A_503], %broadcast_in_dim3A_3 {add = true} : memref<48000xf32, #tpu.memory_space<vmem>>[vector<16xi32>], vector<16xf32>,
        %add3A_504 = arith.addi %add3A_364, %add3A_463 : vector<16xi32>
        tpu.vector_store_idx %arg8[%add3A_504], %broadcast_in_dim3A_3 {add = true} : memref<48000xf32, #tpu.memory_space<vmem>>[vector<16xi32>], vector<16xf32>,
        %add3A_505 = arith.addi %add3A_364, %add3A_466 : vector<16xi32>
        tpu.vector_store_idx %arg8[%add3A_505], %broadcast_in_dim3A_3 {add = true} : memref<48000xf32, #tpu.memory_space<vmem>>[vector<16xi32>], vector<16xf32>,
        %add3A_506 = arith.addi %add3A_364, %add3A_469 : vector<16xi32>
        tpu.vector_store_idx %arg8[%add3A_506], %broadcast_in_dim3A_3 {add = true} : memref<48000xf32, #tpu.memory_space<vmem>>[vector<16xi32>], vector<16xf32>,
        %add3A_507 = arith.addi %add3A_364, %add3A_472 : vector<16xi32>
        tpu.vector_store_idx %arg8[%add3A_507], %broadcast_in_dim3A_3 {add = true} : memref<48000xf32, #tpu.memory_space<vmem>>[vector<16xi32>], vector<16xf32>,
        %add3A_508 = arith.addi %add3A_364, %add3A_475 : vector<16xi32>
        tpu.vector_store_idx %arg8[%add3A_508], %broadcast_in_dim3A_3 {add = true} : memref<48000xf32, #tpu.memory_space<vmem>>[vector<16xi32>], vector<16xf32>,
        %add3A_509 = arith.addi %add3A_364, %add3A_478 : vector<16xi32>
        tpu.vector_store_idx %arg8[%add3A_509], %broadcast_in_dim3A_3 {add = true} : memref<48000xf32, #tpu.memory_space<vmem>>[vector<16xi32>], vector<16xf32>,
        %add3A_510 = arith.addi %add3A_364, %add3A_481 : vector<16xi32>
        tpu.vector_store_idx %arg8[%add3A_510], %broadcast_in_dim3A_3 {add = true} : memref<48000xf32, #tpu.memory_space<vmem>>[vector<16xi32>], vector<16xf32>,
        %add3A_511 = arith.addi %add3A_364, %add3A_484 : vector<16xi32>
        tpu.vector_store_idx %arg8[%add3A_511], %broadcast_in_dim3A_3 {add = true} : memref<48000xf32, #tpu.memory_space<vmem>>[vector<16xi32>], vector<16xf32>,
        %add3A_512 = arith.addi %add3A_364, %add3A_487 : vector<16xi32>
        tpu.vector_store_idx %arg8[%add3A_512], %broadcast_in_dim3A_3 {add = true} : memref<48000xf32, #tpu.memory_space<vmem>>[vector<16xi32>], vector<16xf32>,
        %add3A_513 = arith.addi %add3A_364, %add3A_490 : vector<16xi32>
        tpu.vector_store_idx %arg8[%add3A_513], %broadcast_in_dim3A_3 {add = true} : memref<48000xf32, #tpu.memory_space<vmem>>[vector<16xi32>], vector<16xf32>,
        %add3A_514 = arith.addi %add3A_364, %add3A_493 : vector<16xi32>
        tpu.vector_store_idx %arg8[%add3A_514], %broadcast_in_dim3A_3 {add = true} : memref<48000xf32, #tpu.memory_space<vmem>>[vector<16xi32>], vector<16xf32>,
        %add3A_515 = arith.addi %add3A_364, %add3A_496 : vector<16xi32>
        tpu.vector_store_idx %arg8[%add3A_515], %broadcast_in_dim3A_3 {add = true} : memref<48000xf32, #tpu.memory_space<vmem>>[vector<16xi32>], vector<16xf32>,
        %add3A_516 = arith.addi %add3A_364, %add3A_499 : vector<16xi32>
        tpu.vector_store_idx %arg8[%add3A_516], %broadcast_in_dim3A_3 {add = true} : memref<48000xf32, #tpu.memory_space<vmem>>[vector<16xi32>], vector<16xf32>,
        %add3A_517 = arith.addi %add3A_364, %add3A_502 : vector<16xi32>
        tpu.vector_store_idx %arg8[%add3A_517], %broadcast_in_dim3A_3 {add = true} : memref<48000xf32, #tpu.memory_space<vmem>>[vector<16xi32>], vector<16xf32>,
        %add3A_518 = arith.addi %add3A_370, %add3A_463 : vector<16xi32>
        tpu.vector_store_idx %arg8[%add3A_518], %broadcast_in_dim3A_3 {add = true} : memref<48000xf32, #tpu.memory_space<vmem>>[vector<16xi32>], vector<16xf32>,
        %add3A_519 = arith.addi %add3A_370, %add3A_466 : vector<16xi32>
        tpu.vector_store_idx %arg8[%add3A_519], %broadcast_in_dim3A_3 {add = true} : memref<48000xf32, #tpu.memory_space<vmem>>[vector<16xi32>], vector<16xf32>,
        %add3A_520 = arith.addi %add3A_370, %add3A_469 : vector<16xi32>
        tpu.vector_store_idx %arg8[%add3A_520], %broadcast_in_dim3A_3 {add = true} : memref<48000xf32, #tpu.memory_space<vmem>>[vector<16xi32>], vector<16xf32>,
        %add3A_521 = arith.addi %add3A_370, %add3A_472 : vector<16xi32>
        tpu.vector_store_idx %arg8[%add3A_521], %broadcast_in_dim3A_3 {add = true} : memref<48000xf32, #tpu.memory_space<vmem>>[vector<16xi32>], vector<16xf32>,
        %add3A_522 = arith.addi %add3A_370, %add3A_475 : vector<16xi32>
        tpu.vector_store_idx %arg8[%add3A_522], %broadcast_in_dim3A_3 {add = true} : memref<48000xf32, #tpu.memory_space<vmem>>[vector<16xi32>], vector<16xf32>,
        %add3A_523 = arith.addi %add3A_370, %add3A_478 : vector<16xi32>
        tpu.vector_store_idx %arg8[%add3A_523], %broadcast_in_dim3A_3 {add = true} : memref<48000xf32, #tpu.memory_space<vmem>>[vector<16xi32>], vector<16xf32>,
        %add3A_524 = arith.addi %add3A_370, %add3A_481 : vector<16xi32>
        tpu.vector_store_idx %arg8[%add3A_524], %broadcast_in_dim3A_3 {add = true} : memref<48000xf32, #tpu.memory_space<vmem>>[vector<16xi32>], vector<16xf32>,
        %add3A_525 = arith.addi %add3A_370, %add3A_484 : vector<16xi32>
        tpu.vector_store_idx %arg8[%add3A_525], %broadcast_in_dim3A_3 {add = true} : memref<48000xf32, #tpu.memory_space<vmem>>[vector<16xi32>], vector<16xf32>,
        %add3A_526 = arith.addi %add3A_370, %add3A_487 : vector<16xi32>
        tpu.vector_store_idx %arg8[%add3A_526], %broadcast_in_dim3A_3 {add = true} : memref<48000xf32, #tpu.memory_space<vmem>>[vector<16xi32>], vector<16xf32>,
        %add3A_527 = arith.addi %add3A_370, %add3A_490 : vector<16xi32>
        tpu.vector_store_idx %arg8[%add3A_527], %broadcast_in_dim3A_3 {add = true} : memref<48000xf32, #tpu.memory_space<vmem>>[vector<16xi32>], vector<16xf32>,
        %add3A_528 = arith.addi %add3A_370, %add3A_493 : vector<16xi32>
        tpu.vector_store_idx %arg8[%add3A_528], %broadcast_in_dim3A_3 {add = true} : memref<48000xf32, #tpu.memory_space<vmem>>[vector<16xi32>], vector<16xf32>,
        %add3A_529 = arith.addi %add3A_370, %add3A_496 : vector<16xi32>
        tpu.vector_store_idx %arg8[%add3A_529], %broadcast_in_dim3A_3 {add = true} : memref<48000xf32, #tpu.memory_space<vmem>>[vector<16xi32>], vector<16xf32>,
        %add3A_530 = arith.addi %add3A_370, %add3A_499 : vector<16xi32>
        tpu.vector_store_idx %arg8[%add3A_530], %broadcast_in_dim3A_3 {add = true} : memref<48000xf32, #tpu.memory_space<vmem>>[vector<16xi32>], vector<16xf32>,
        %add3A_531 = arith.addi %add3A_370, %add3A_502 : vector<16xi32>
        tpu.vector_store_idx %arg8[%add3A_531], %broadcast_in_dim3A_3 {add = true} : memref<48000xf32, #tpu.memory_space<vmem>>[vector<16xi32>], vector<16xf32>,
        %add3A_532 = arith.addi %add3A_376, %add3A_466 : vector<16xi32>
        tpu.vector_store_idx %arg8[%add3A_532], %broadcast_in_dim3A_3 {add = true} : memref<48000xf32, #tpu.memory_space<vmem>>[vector<16xi32>], vector<16xf32>,
        %add3A_533 = arith.addi %add3A_376, %add3A_469 : vector<16xi32>
        tpu.vector_store_idx %arg8[%add3A_533], %broadcast_in_dim3A_3 {add = true} : memref<48000xf32, #tpu.memory_space<vmem>>[vector<16xi32>], vector<16xf32>,
        %add3A_534 = arith.addi %add3A_376, %add3A_472 : vector<16xi32>
        tpu.vector_store_idx %arg8[%add3A_534], %broadcast_in_dim3A_3 {add = true} : memref<48000xf32, #tpu.memory_space<vmem>>[vector<16xi32>], vector<16xf32>,
        %add3A_535 = arith.addi %add3A_376, %add3A_475 : vector<16xi32>
        tpu.vector_store_idx %arg8[%add3A_535], %broadcast_in_dim3A_3 {add = true} : memref<48000xf32, #tpu.memory_space<vmem>>[vector<16xi32>], vector<16xf32>,
        %add3A_536 = arith.addi %add3A_376, %add3A_478 : vector<16xi32>
        tpu.vector_store_idx %arg8[%add3A_536], %broadcast_in_dim3A_3 {add = true} : memref<48000xf32, #tpu.memory_space<vmem>>[vector<16xi32>], vector<16xf32>,
        %add3A_537 = arith.addi %add3A_376, %add3A_481 : vector<16xi32>
        tpu.vector_store_idx %arg8[%add3A_537], %broadcast_in_dim3A_3 {add = true} : memref<48000xf32, #tpu.memory_space<vmem>>[vector<16xi32>], vector<16xf32>,
        %add3A_538 = arith.addi %add3A_376, %add3A_484 : vector<16xi32>
        tpu.vector_store_idx %arg8[%add3A_538], %broadcast_in_dim3A_3 {add = true} : memref<48000xf32, #tpu.memory_space<vmem>>[vector<16xi32>], vector<16xf32>,
        %add3A_539 = arith.addi %add3A_376, %add3A_487 : vector<16xi32>
        tpu.vector_store_idx %arg8[%add3A_539], %broadcast_in_dim3A_3 {add = true} : memref<48000xf32, #tpu.memory_space<vmem>>[vector<16xi32>], vector<16xf32>,
        %add3A_540 = arith.addi %add3A_376, %add3A_490 : vector<16xi32>
        tpu.vector_store_idx %arg8[%add3A_540], %broadcast_in_dim3A_3 {add = true} : memref<48000xf32, #tpu.memory_space<vmem>>[vector<16xi32>], vector<16xf32>,
        %add3A_541 = arith.addi %add3A_376, %add3A_493 : vector<16xi32>
        tpu.vector_store_idx %arg8[%add3A_541], %broadcast_in_dim3A_3 {add = true} : memref<48000xf32, #tpu.memory_space<vmem>>[vector<16xi32>], vector<16xf32>,
        %add3A_542 = arith.addi %add3A_376, %add3A_496 : vector<16xi32>
        tpu.vector_store_idx %arg8[%add3A_542], %broadcast_in_dim3A_3 {add = true} : memref<48000xf32, #tpu.memory_space<vmem>>[vector<16xi32>], vector<16xf32>,
        %add3A_543 = arith.addi %add3A_376, %add3A_499 : vector<16xi32>
        tpu.vector_store_idx %arg8[%add3A_543], %broadcast_in_dim3A_3 {add = true} : memref<48000xf32, #tpu.memory_space<vmem>>[vector<16xi32>], vector<16xf32>,
        %add3A_544 = arith.addi %add3A_376, %add3A_502 : vector<16xi32>
        tpu.vector_store_idx %arg8[%add3A_544], %broadcast_in_dim3A_3 {add = true} : memref<48000xf32, #tpu.memory_space<vmem>>[vector<16xi32>], vector<16xf32>,
        %add3A_545 = arith.addi %add3A_382, %add3A_469 : vector<16xi32>
        tpu.vector_store_idx %arg8[%add3A_545], %broadcast_in_dim3A_3 {add = true} : memref<48000xf32, #tpu.memory_space<vmem>>[vector<16xi32>], vector<16xf32>,
        %add3A_546 = arith.addi %add3A_382, %add3A_472 : vector<16xi32>
        tpu.vector_store_idx %arg8[%add3A_546], %broadcast_in_dim3A_3 {add = true} : memref<48000xf32, #tpu.memory_space<vmem>>[vector<16xi32>], vector<16xf32>,
        %add3A_547 = arith.addi %add3A_382, %add3A_475 : vector<16xi32>
        tpu.vector_store_idx %arg8[%add3A_547], %broadcast_in_dim3A_3 {add = true} : memref<48000xf32, #tpu.memory_space<vmem>>[vector<16xi32>], vector<16xf32>,
        %add3A_548 = arith.addi %add3A_382, %add3A_478 : vector<16xi32>
        tpu.vector_store_idx %arg8[%add3A_548], %broadcast_in_dim3A_3 {add = true} : memref<48000xf32, #tpu.memory_space<vmem>>[vector<16xi32>], vector<16xf32>,
        %add3A_549 = arith.addi %add3A_382, %add3A_481 : vector<16xi32>
        tpu.vector_store_idx %arg8[%add3A_549], %broadcast_in_dim3A_3 {add = true} : memref<48000xf32, #tpu.memory_space<vmem>>[vector<16xi32>], vector<16xf32>,
        %add3A_550 = arith.addi %add3A_382, %add3A_484 : vector<16xi32>
        tpu.vector_store_idx %arg8[%add3A_550], %broadcast_in_dim3A_3 {add = true} : memref<48000xf32, #tpu.memory_space<vmem>>[vector<16xi32>], vector<16xf32>,
        %add3A_551 = arith.addi %add3A_382, %add3A_487 : vector<16xi32>
        tpu.vector_store_idx %arg8[%add3A_551], %broadcast_in_dim3A_3 {add = true} : memref<48000xf32, #tpu.memory_space<vmem>>[vector<16xi32>], vector<16xf32>,
        %add3A_552 = arith.addi %add3A_382, %add3A_490 : vector<16xi32>
        tpu.vector_store_idx %arg8[%add3A_552], %broadcast_in_dim3A_3 {add = true} : memref<48000xf32, #tpu.memory_space<vmem>>[vector<16xi32>], vector<16xf32>,
        %add3A_553 = arith.addi %add3A_382, %add3A_493 : vector<16xi32>
        tpu.vector_store_idx %arg8[%add3A_553], %broadcast_in_dim3A_3 {add = true} : memref<48000xf32, #tpu.memory_space<vmem>>[vector<16xi32>], vector<16xf32>,
        %add3A_554 = arith.addi %add3A_382, %add3A_496 : vector<16xi32>
        tpu.vector_store_idx %arg8[%add3A_554], %broadcast_in_dim3A_3 {add = true} : memref<48000xf32, #tpu.memory_space<vmem>>[vector<16xi32>], vector<16xf32>,
        %add3A_555 = arith.addi %add3A_382, %add3A_499 : vector<16xi32>
        tpu.vector_store_idx %arg8[%add3A_555], %broadcast_in_dim3A_3 {add = true} : memref<48000xf32, #tpu.memory_space<vmem>>[vector<16xi32>], vector<16xf32>,
        %add3A_556 = arith.addi %add3A_382, %add3A_502 : vector<16xi32>
        tpu.vector_store_idx %arg8[%add3A_556], %broadcast_in_dim3A_3 {add = true} : memref<48000xf32, #tpu.memory_space<vmem>>[vector<16xi32>], vector<16xf32>,
        %add3A_557 = arith.addi %add3A_388, %add3A_472 : vector<16xi32>
        tpu.vector_store_idx %arg8[%add3A_557], %broadcast_in_dim3A_3 {add = true} : memref<48000xf32, #tpu.memory_space<vmem>>[vector<16xi32>], vector<16xf32>,
        %add3A_558 = arith.addi %add3A_388, %add3A_475 : vector<16xi32>
        tpu.vector_store_idx %arg8[%add3A_558], %broadcast_in_dim3A_3 {add = true} : memref<48000xf32, #tpu.memory_space<vmem>>[vector<16xi32>], vector<16xf32>,
        %add3A_559 = arith.addi %add3A_388, %add3A_478 : vector<16xi32>
        tpu.vector_store_idx %arg8[%add3A_559], %broadcast_in_dim3A_3 {add = true} : memref<48000xf32, #tpu.memory_space<vmem>>[vector<16xi32>], vector<16xf32>,
        %add3A_560 = arith.addi %add3A_388, %add3A_481 : vector<16xi32>
        tpu.vector_store_idx %arg8[%add3A_560], %broadcast_in_dim3A_3 {add = true} : memref<48000xf32, #tpu.memory_space<vmem>>[vector<16xi32>], vector<16xf32>,
        %add3A_561 = arith.addi %add3A_388, %add3A_484 : vector<16xi32>
        tpu.vector_store_idx %arg8[%add3A_561], %broadcast_in_dim3A_3 {add = true} : memref<48000xf32, #tpu.memory_space<vmem>>[vector<16xi32>], vector<16xf32>,
        %add3A_562 = arith.addi %add3A_388, %add3A_487 : vector<16xi32>
        tpu.vector_store_idx %arg8[%add3A_562], %broadcast_in_dim3A_3 {add = true} : memref<48000xf32, #tpu.memory_space<vmem>>[vector<16xi32>], vector<16xf32>,
        %add3A_563 = arith.addi %add3A_388, %add3A_490 : vector<16xi32>
        tpu.vector_store_idx %arg8[%add3A_563], %broadcast_in_dim3A_3 {add = true} : memref<48000xf32, #tpu.memory_space<vmem>>[vector<16xi32>], vector<16xf32>,
        %add3A_564 = arith.addi %add3A_388, %add3A_493 : vector<16xi32>
        tpu.vector_store_idx %arg8[%add3A_564], %broadcast_in_dim3A_3 {add = true} : memref<48000xf32, #tpu.memory_space<vmem>>[vector<16xi32>], vector<16xf32>,
        %add3A_565 = arith.addi %add3A_388, %add3A_496 : vector<16xi32>
        tpu.vector_store_idx %arg8[%add3A_565], %broadcast_in_dim3A_3 {add = true} : memref<48000xf32, #tpu.memory_space<vmem>>[vector<16xi32>], vector<16xf32>,
        %add3A_566 = arith.addi %add3A_388, %add3A_499 : vector<16xi32>
        tpu.vector_store_idx %arg8[%add3A_566], %broadcast_in_dim3A_3 {add = true} : memref<48000xf32, #tpu.memory_space<vmem>>[vector<16xi32>], vector<16xf32>,
        %add3A_567 = arith.addi %add3A_388, %add3A_502 : vector<16xi32>
        tpu.vector_store_idx %arg8[%add3A_567], %broadcast_in_dim3A_3 {add = true} : memref<48000xf32, #tpu.memory_space<vmem>>[vector<16xi32>], vector<16xf32>,
        %add3A_568 = arith.addi %add3A_394, %add3A_475 : vector<16xi32>
        tpu.vector_store_idx %arg8[%add3A_568], %broadcast_in_dim3A_3 {add = true} : memref<48000xf32, #tpu.memory_space<vmem>>[vector<16xi32>], vector<16xf32>,
        %add3A_569 = arith.addi %add3A_394, %add3A_478 : vector<16xi32>
        tpu.vector_store_idx %arg8[%add3A_569], %broadcast_in_dim3A_3 {add = true} : memref<48000xf32, #tpu.memory_space<vmem>>[vector<16xi32>], vector<16xf32>,
        %add3A_570 = arith.addi %add3A_394, %add3A_481 : vector<16xi32>
        tpu.vector_store_idx %arg8[%add3A_570], %broadcast_in_dim3A_3 {add = true} : memref<48000xf32, #tpu.memory_space<vmem>>[vector<16xi32>], vector<16xf32>,
        %add3A_571 = arith.addi %add3A_394, %add3A_484 : vector<16xi32>
        tpu.vector_store_idx %arg8[%add3A_571], %broadcast_in_dim3A_3 {add = true} : memref<48000xf32, #tpu.memory_space<vmem>>[vector<16xi32>], vector<16xf32>,
        %add3A_572 = arith.addi %add3A_394, %add3A_487 : vector<16xi32>
        tpu.vector_store_idx %arg8[%add3A_572], %broadcast_in_dim3A_3 {add = true} : memref<48000xf32, #tpu.memory_space<vmem>>[vector<16xi32>], vector<16xf32>,
        %add3A_573 = arith.addi %add3A_394, %add3A_490 : vector<16xi32>
        tpu.vector_store_idx %arg8[%add3A_573], %broadcast_in_dim3A_3 {add = true} : memref<48000xf32, #tpu.memory_space<vmem>>[vector<16xi32>], vector<16xf32>,
        %add3A_574 = arith.addi %add3A_394, %add3A_493 : vector<16xi32>
        tpu.vector_store_idx %arg8[%add3A_574], %broadcast_in_dim3A_3 {add = true} : memref<48000xf32, #tpu.memory_space<vmem>>[vector<16xi32>], vector<16xf32>,
        %add3A_575 = arith.addi %add3A_394, %add3A_496 : vector<16xi32>
        tpu.vector_store_idx %arg8[%add3A_575], %broadcast_in_dim3A_3 {add = true} : memref<48000xf32, #tpu.memory_space<vmem>>[vector<16xi32>], vector<16xf32>,
        %add3A_576 = arith.addi %add3A_394, %add3A_499 : vector<16xi32>
        tpu.vector_store_idx %arg8[%add3A_576], %broadcast_in_dim3A_3 {add = true} : memref<48000xf32, #tpu.memory_space<vmem>>[vector<16xi32>], vector<16xf32>,
        %add3A_577 = arith.addi %add3A_394, %add3A_502 : vector<16xi32>
        tpu.vector_store_idx %arg8[%add3A_577], %broadcast_in_dim3A_3 {add = true} : memref<48000xf32, #tpu.memory_space<vmem>>[vector<16xi32>], vector<16xf32>,
        %add3A_578 = arith.addi %add3A_400, %add3A_478 : vector<16xi32>
        tpu.vector_store_idx %arg8[%add3A_578], %broadcast_in_dim3A_3 {add = true} : memref<48000xf32, #tpu.memory_space<vmem>>[vector<16xi32>], vector<16xf32>,
        %add3A_579 = arith.addi %add3A_400, %add3A_481 : vector<16xi32>
        tpu.vector_store_idx %arg8[%add3A_579], %broadcast_in_dim3A_3 {add = true} : memref<48000xf32, #tpu.memory_space<vmem>>[vector<16xi32>], vector<16xf32>,
        %add3A_580 = arith.addi %add3A_400, %add3A_484 : vector<16xi32>
        tpu.vector_store_idx %arg8[%add3A_580], %broadcast_in_dim3A_3 {add = true} : memref<48000xf32, #tpu.memory_space<vmem>>[vector<16xi32>], vector<16xf32>,
        %add3A_581 = arith.addi %add3A_400, %add3A_487 : vector<16xi32>
        tpu.vector_store_idx %arg8[%add3A_581], %broadcast_in_dim3A_3 {add = true} : memref<48000xf32, #tpu.memory_space<vmem>>[vector<16xi32>], vector<16xf32>,
        %add3A_582 = arith.addi %add3A_400, %add3A_490 : vector<16xi32>
        tpu.vector_store_idx %arg8[%add3A_582], %broadcast_in_dim3A_3 {add = true} : memref<48000xf32, #tpu.memory_space<vmem>>[vector<16xi32>], vector<16xf32>,
        %add3A_583 = arith.addi %add3A_400, %add3A_493 : vector<16xi32>
        tpu.vector_store_idx %arg8[%add3A_583], %broadcast_in_dim3A_3 {add = true} : memref<48000xf32, #tpu.memory_space<vmem>>[vector<16xi32>], vector<16xf32>,
        %add3A_584 = arith.addi %add3A_400, %add3A_496 : vector<16xi32>
        tpu.vector_store_idx %arg8[%add3A_584], %broadcast_in_dim3A_3 {add = true} : memref<48000xf32, #tpu.memory_space<vmem>>[vector<16xi32>], vector<16xf32>,
        %add3A_585 = arith.addi %add3A_400, %add3A_499 : vector<16xi32>
        tpu.vector_store_idx %arg8[%add3A_585], %broadcast_in_dim3A_3 {add = true} : memref<48000xf32, #tpu.memory_space<vmem>>[vector<16xi32>], vector<16xf32>,
        %add3A_586 = arith.addi %add3A_400, %add3A_502 : vector<16xi32>
        tpu.vector_store_idx %arg8[%add3A_586], %broadcast_in_dim3A_3 {add = true} : memref<48000xf32, #tpu.memory_space<vmem>>[vector<16xi32>], vector<16xf32>,
        %add3A_587 = arith.addi %add3A_406, %add3A_481 : vector<16xi32>
        tpu.vector_store_idx %arg8[%add3A_587], %broadcast_in_dim3A_3 {add = true} : memref<48000xf32, #tpu.memory_space<vmem>>[vector<16xi32>], vector<16xf32>,
        %add3A_588 = arith.addi %add3A_406, %add3A_484 : vector<16xi32>
        tpu.vector_store_idx %arg8[%add3A_588], %broadcast_in_dim3A_3 {add = true} : memref<48000xf32, #tpu.memory_space<vmem>>[vector<16xi32>], vector<16xf32>,
        %add3A_589 = arith.addi %add3A_406, %add3A_487 : vector<16xi32>
        tpu.vector_store_idx %arg8[%add3A_589], %broadcast_in_dim3A_3 {add = true} : memref<48000xf32, #tpu.memory_space<vmem>>[vector<16xi32>], vector<16xf32>,
        %add3A_590 = arith.addi %add3A_406, %add3A_490 : vector<16xi32>
        tpu.vector_store_idx %arg8[%add3A_590], %broadcast_in_dim3A_3 {add = true} : memref<48000xf32, #tpu.memory_space<vmem>>[vector<16xi32>], vector<16xf32>,
        %add3A_591 = arith.addi %add3A_406, %add3A_493 : vector<16xi32>
        tpu.vector_store_idx %arg8[%add3A_591], %broadcast_in_dim3A_3 {add = true} : memref<48000xf32, #tpu.memory_space<vmem>>[vector<16xi32>], vector<16xf32>,
        %add3A_592 = arith.addi %add3A_406, %add3A_496 : vector<16xi32>
        tpu.vector_store_idx %arg8[%add3A_592], %broadcast_in_dim3A_3 {add = true} : memref<48000xf32, #tpu.memory_space<vmem>>[vector<16xi32>], vector<16xf32>,
        %add3A_593 = arith.addi %add3A_406, %add3A_499 : vector<16xi32>
        tpu.vector_store_idx %arg8[%add3A_593], %broadcast_in_dim3A_3 {add = true} : memref<48000xf32, #tpu.memory_space<vmem>>[vector<16xi32>], vector<16xf32>,
        %add3A_594 = arith.addi %add3A_406, %add3A_502 : vector<16xi32>
        tpu.vector_store_idx %arg8[%add3A_594], %broadcast_in_dim3A_3 {add = true} : memref<48000xf32, #tpu.memory_space<vmem>>[vector<16xi32>], vector<16xf32>,
        %add3A_595 = arith.addi %add3A_412, %add3A_484 : vector<16xi32>
        tpu.vector_store_idx %arg8[%add3A_595], %broadcast_in_dim3A_3 {add = true} : memref<48000xf32, #tpu.memory_space<vmem>>[vector<16xi32>], vector<16xf32>,
        %add3A_596 = arith.addi %add3A_412, %add3A_487 : vector<16xi32>
        tpu.vector_store_idx %arg8[%add3A_596], %broadcast_in_dim3A_3 {add = true} : memref<48000xf32, #tpu.memory_space<vmem>>[vector<16xi32>], vector<16xf32>,
        %add3A_597 = arith.addi %add3A_412, %add3A_490 : vector<16xi32>
        tpu.vector_store_idx %arg8[%add3A_597], %broadcast_in_dim3A_3 {add = true} : memref<48000xf32, #tpu.memory_space<vmem>>[vector<16xi32>], vector<16xf32>,
        %add3A_598 = arith.addi %add3A_412, %add3A_493 : vector<16xi32>
        tpu.vector_store_idx %arg8[%add3A_598], %broadcast_in_dim3A_3 {add = true} : memref<48000xf32, #tpu.memory_space<vmem>>[vector<16xi32>], vector<16xf32>,
        %add3A_599 = arith.addi %add3A_412, %add3A_496 : vector<16xi32>
        tpu.vector_store_idx %arg8[%add3A_599], %broadcast_in_dim3A_3 {add = true} : memref<48000xf32, #tpu.memory_space<vmem>>[vector<16xi32>], vector<16xf32>,
        %add3A_600 = arith.addi %add3A_412, %add3A_499 : vector<16xi32>
        tpu.vector_store_idx %arg8[%add3A_600], %broadcast_in_dim3A_3 {add = true} : memref<48000xf32, #tpu.memory_space<vmem>>[vector<16xi32>], vector<16xf32>,
        %add3A_601 = arith.addi %add3A_412, %add3A_502 : vector<16xi32>
        tpu.vector_store_idx %arg8[%add3A_601], %broadcast_in_dim3A_3 {add = true} : memref<48000xf32, #tpu.memory_space<vmem>>[vector<16xi32>], vector<16xf32>,
        %add3A_602 = arith.addi %add3A_418, %add3A_487 : vector<16xi32>
        tpu.vector_store_idx %arg8[%add3A_602], %broadcast_in_dim3A_3 {add = true} : memref<48000xf32, #tpu.memory_space<vmem>>[vector<16xi32>], vector<16xf32>,
        %add3A_603 = arith.addi %add3A_418, %add3A_490 : vector<16xi32>
        tpu.vector_store_idx %arg8[%add3A_603], %broadcast_in_dim3A_3 {add = true} : memref<48000xf32, #tpu.memory_space<vmem>>[vector<16xi32>], vector<16xf32>,
        %add3A_604 = arith.addi %add3A_418, %add3A_493 : vector<16xi32>
        tpu.vector_store_idx %arg8[%add3A_604], %broadcast_in_dim3A_3 {add = true} : memref<48000xf32, #tpu.memory_space<vmem>>[vector<16xi32>], vector<16xf32>,
        %add3A_605 = arith.addi %add3A_418, %add3A_496 : vector<16xi32>
        tpu.vector_store_idx %arg8[%add3A_605], %broadcast_in_dim3A_3 {add = true} : memref<48000xf32, #tpu.memory_space<vmem>>[vector<16xi32>], vector<16xf32>,
        %add3A_606 = arith.addi %add3A_418, %add3A_499 : vector<16xi32>
        tpu.vector_store_idx %arg8[%add3A_606], %broadcast_in_dim3A_3 {add = true} : memref<48000xf32, #tpu.memory_space<vmem>>[vector<16xi32>], vector<16xf32>,
        %add3A_607 = arith.addi %add3A_418, %add3A_502 : vector<16xi32>
        tpu.vector_store_idx %arg8[%add3A_607], %broadcast_in_dim3A_3 {add = true} : memref<48000xf32, #tpu.memory_space<vmem>>[vector<16xi32>], vector<16xf32>,
        %add3A_608 = arith.addi %add3A_424, %add3A_490 : vector<16xi32>
        tpu.vector_store_idx %arg8[%add3A_608], %broadcast_in_dim3A_3 {add = true} : memref<48000xf32, #tpu.memory_space<vmem>>[vector<16xi32>], vector<16xf32>,
        %add3A_609 = arith.addi %add3A_424, %add3A_493 : vector<16xi32>
        tpu.vector_store_idx %arg8[%add3A_609], %broadcast_in_dim3A_3 {add = true} : memref<48000xf32, #tpu.memory_space<vmem>>[vector<16xi32>], vector<16xf32>,
        %add3A_610 = arith.addi %add3A_424, %add3A_496 : vector<16xi32>
        tpu.vector_store_idx %arg8[%add3A_610], %broadcast_in_dim3A_3 {add = true} : memref<48000xf32, #tpu.memory_space<vmem>>[vector<16xi32>], vector<16xf32>,
        %add3A_611 = arith.addi %add3A_424, %add3A_499 : vector<16xi32>
        tpu.vector_store_idx %arg8[%add3A_611], %broadcast_in_dim3A_3 {add = true} : memref<48000xf32, #tpu.memory_space<vmem>>[vector<16xi32>], vector<16xf32>,
        %add3A_612 = arith.addi %add3A_424, %add3A_502 : vector<16xi32>
        tpu.vector_store_idx %arg8[%add3A_612], %broadcast_in_dim3A_3 {add = true} : memref<48000xf32, #tpu.memory_space<vmem>>[vector<16xi32>], vector<16xf32>,
        %add3A_613 = arith.addi %add3A_430, %add3A_493 : vector<16xi32>
        tpu.vector_store_idx %arg8[%add3A_613], %broadcast_in_dim3A_3 {add = true} : memref<48000xf32, #tpu.memory_space<vmem>>[vector<16xi32>], vector<16xf32>,
        %add3A_614 = arith.addi %add3A_430, %add3A_496 : vector<16xi32>
        tpu.vector_store_idx %arg8[%add3A_614], %broadcast_in_dim3A_3 {add = true} : memref<48000xf32, #tpu.memory_space<vmem>>[vector<16xi32>], vector<16xf32>,
        %add3A_615 = arith.addi %add3A_430, %add3A_499 : vector<16xi32>
        tpu.vector_store_idx %arg8[%add3A_615], %broadcast_in_dim3A_3 {add = true} : memref<48000xf32, #tpu.memory_space<vmem>>[vector<16xi32>], vector<16xf32>,
        %add3A_616 = arith.addi %add3A_430, %add3A_502 : vector<16xi32>
        tpu.vector_store_idx %arg8[%add3A_616], %broadcast_in_dim3A_3 {add = true} : memref<48000xf32, #tpu.memory_space<vmem>>[vector<16xi32>], vector<16xf32>,
        %add3A_617 = arith.addi %add3A_436, %add3A_496 : vector<16xi32>
        tpu.vector_store_idx %arg8[%add3A_617], %broadcast_in_dim3A_3 {add = true} : memref<48000xf32, #tpu.memory_space<vmem>>[vector<16xi32>], vector<16xf32>,
        %add3A_618 = arith.addi %add3A_436, %add3A_499 : vector<16xi32>
        tpu.vector_store_idx %arg8[%add3A_618], %broadcast_in_dim3A_3 {add = true} : memref<48000xf32, #tpu.memory_space<vmem>>[vector<16xi32>], vector<16xf32>,
        %add3A_619 = arith.addi %add3A_436, %add3A_502 : vector<16xi32>
        tpu.vector_store_idx %arg8[%add3A_619], %broadcast_in_dim3A_3 {add = true} : memref<48000xf32, #tpu.memory_space<vmem>>[vector<16xi32>], vector<16xf32>,
        %add3A_620 = arith.addi %add3A_442, %add3A_499 : vector<16xi32>
        tpu.vector_store_idx %arg8[%add3A_620], %broadcast_in_dim3A_3 {add = true} : memref<48000xf32, #tpu.memory_space<vmem>>[vector<16xi32>], vector<16xf32>,
        %add3A_621 = arith.addi %add3A_442, %add3A_502 : vector<16xi32>
        tpu.vector_store_idx %arg8[%add3A_621], %broadcast_in_dim3A_3 {add = true} : memref<48000xf32, #tpu.memory_space<vmem>>[vector<16xi32>], vector<16xf32>,
        %add3A_622 = arith.addi %add3A_448, %add3A_502 : vector<16xi32>
        tpu.vector_store_idx %arg8[%add3A_622], %broadcast_in_dim3A_3 {add = true} : memref<48000xf32, #tpu.memory_space<vmem>>[vector<16xi32>], vector<16xf32>,
      }
      %scan3A_89 = arith.constant 256 : i32
    }
    %scan3A_79 = arith.constant 4 : i32
    "tpu.region"() ({
      %run_scoped3A = tpu.sem_alloc : memref<!tpu.dma_semaphore, #tpu.memory_space<semaphore_mem>>
      %dma_start3A = arith.constant 0 : i32
      %dma_start3A_80 = tpu.memref_slice %arg5[%add3A, %dma_start3A] : memref<32x48000xf32, #tpu.memory_space<hbm>> -> memref<1x48000xf32, #tpu.memory_space<hbm>>
      %dma_start3A_81 = tpu.memref_squeeze %dma_start3A_80 : memref<1x48000xf32, #tpu.memory_space<hbm>> -> memref<48000xf32, #tpu.memory_space<hbm>>
      %dma_start3A_82 = arith.constant 0 : i32
      %dma_start3A_83 = tpu.memref_slice %arg5[%add3A, %dma_start3A_82] : memref<32x48000xf32, #tpu.memory_space<hbm>> -> memref<1x48000xf32, #tpu.memory_space<hbm>>
      %dma_start3A_84 = tpu.memref_squeeze %dma_start3A_83 : memref<1x48000xf32, #tpu.memory_space<hbm>> -> memref<48000xf32, #tpu.memory_space<hbm>>
      tpu.enqueue_dma source(%arg8 : memref<48000xf32, #tpu.memory_space<vmem>>) target(%dma_start3A_84 : memref<48000xf32, #tpu.memory_space<hbm>>) target_semaphore(%run_scoped3A : memref<!tpu.dma_semaphore, #tpu.memory_space<semaphore_mem>>)
      %dma_wait3A = arith.constant 0 : i32
      %dma_wait3A_85 = tpu.memref_slice %arg5[%add3A, %dma_wait3A] : memref<32x48000xf32, #tpu.memory_space<hbm>> -> memref<1x48000xf32, #tpu.memory_space<hbm>>
      %dma_wait3A_86 = tpu.memref_squeeze %dma_wait3A_85 : memref<1x48000xf32, #tpu.memory_space<hbm>> -> memref<48000xf32, #tpu.memory_space<hbm>>
      %dma_wait3A_87 = arith.constant 0 : i32
      %dma_wait3A_88 = tpu.memref_slice %arg5[%add3A, %dma_wait3A_87] : memref<32x48000xf32, #tpu.memory_space<hbm>> -> memref<1x48000xf32, #tpu.memory_space<hbm>>
      %dma_wait3A_89 = tpu.memref_squeeze %dma_wait3A_88 : memref<1x48000xf32, #tpu.memory_space<hbm>> -> memref<48000xf32, #tpu.memory_space<hbm>>
      tpu.wait_dma2 semaphore(%run_scoped3A : memref<!tpu.dma_semaphore, #tpu.memory_space<semaphore_mem>>) src(%arg8 : memref<48000xf32, #tpu.memory_space<vmem>>) dst(%dma_wait3A_89 : memref<48000xf32, #tpu.memory_space<hbm>>)
      tpu.yield
    }) : () -> ()
    return
  }
}

module attributes {stable_mosaic.version = 14 : i64} {
  func.func @_final_body(%arg0: i32, %arg1: memref<32x120x400xf32, #tpu.memory_space<vmem>>, %arg2: memref<400x20xf32, #tpu.memory_space<vmem>>, %arg3: memref<20x400xf32, #tpu.memory_space<vmem>>, %arg4: memref<400x20xf32, #tpu.memory_space<vmem>>, %arg5: memref<20x400xf32, #tpu.memory_space<vmem>>, %arg6: memref<120x16xf32, #tpu.memory_space<vmem>>, %arg7: memref<120x16xf32, #tpu.memory_space<vmem>>, %arg8: memref<16x16xf32, #tpu.memory_space<vmem>>) attributes {dimension_semantics = [#tpu.dimension_semantics<arbitrary>], iteration_bounds = array<i64: 1>, scalar_prefetch = 0 : i64, scratch_operands = 0 : i64, tpu.core_type = #tpu.core_type<tc>, window_params = [{pipeline_mode = #tpu.pipeline_mode<synchronous>, transform_indices = @transform_0, window_bounds = array<i64: 32, 120, 400>}, {pipeline_mode = #tpu.pipeline_mode<synchronous>, transform_indices = @transform_1, window_bounds = array<i64: 400, 20>}, {pipeline_mode = #tpu.pipeline_mode<synchronous>, transform_indices = @transform_2, window_bounds = array<i64: 20, 400>}, {pipeline_mode = #tpu.pipeline_mode<synchronous>, transform_indices = @transform_3, window_bounds = array<i64: 400, 20>}, {pipeline_mode = #tpu.pipeline_mode<synchronous>, transform_indices = @transform_4, window_bounds = array<i64: 20, 400>}, {pipeline_mode = #tpu.pipeline_mode<synchronous>, transform_indices = @transform_5, window_bounds = array<i64: 120, 16>}, {pipeline_mode = #tpu.pipeline_mode<synchronous>, transform_indices = @transform_6, window_bounds = array<i64: 120, 16>}, {pipeline_mode = #tpu.pipeline_mode<synchronous>, transform_indices = @transform_7, window_bounds = array<i64: 16, 16>}]} {
    %get3A = arith.constant 0 : index
    %get3A_0 = arith.constant 0 : index
    %get3A_1 = arith.constant 0 : index
    %get3A_2 = vector.load %arg1[%get3A, %get3A_0, %get3A_1] : memref<32x120x400xf32, #tpu.memory_space<vmem>>, vector<32x120x400xf32>
    %reduce_sum3A = arith.constant dense<0.000000e+00> : vector<120x400xf32>
    %reduce_sum3A_3 = vector.multi_reduction <add>, %get3A_2, %reduce_sum3A [0] : vector<32x120x400xf32> to vector<120x400xf32>
    %get3A_4 = arith.constant 0 : index
    %get3A_5 = arith.constant 0 : index
    %get3A_6 = vector.load %arg2[%get3A_4, %get3A_5] : memref<400x20xf32, #tpu.memory_space<vmem>>, vector<400x20xf32>
    %dot_general3A = arith.constant dense<0.000000e+00> : vector<120x20xf32>
    %dot_general3A_7 = tpu.matmul %reduce_sum3A_3, %get3A_6, %dot_general3A {dimension_numbers = #tpu.dot_dimension_numbers<[1], [0], [0], [1], [0, 0, 1, 1], [], []>, precision = #tpu.contract_precision<fp32>, transpose_lhs_hint = false} : vector<120x400xf32>, vector<400x20xf32>, vector<120x20xf32> -> vector<120x20xf32>
    %get3A_8 = arith.constant 0 : index
    %get3A_9 = arith.constant 0 : index
    %get3A_10 = vector.load %arg4[%get3A_8, %get3A_9] : memref<400x20xf32, #tpu.memory_space<vmem>>, vector<400x20xf32>
    %dot_general3A_11 = arith.constant dense<0.000000e+00> : vector<120x20xf32>
    %dot_general3A_12 = tpu.matmul %reduce_sum3A_3, %get3A_10, %dot_general3A_11 {dimension_numbers = #tpu.dot_dimension_numbers<[1], [0], [0], [1], [0, 0, 1, 1], [], []>, precision = #tpu.contract_precision<fp32>, transpose_lhs_hint = false} : vector<120x400xf32>, vector<400x20xf32>, vector<120x20xf32> -> vector<120x20xf32>
    %div3A = arith.constant 5.242880e+05 : f32
    %div3A_13 = vector.broadcast %div3A : f32 to vector<120x400xf32>
    %div3A_14 = arith.divf %reduce_sum3A_3, %div3A_13 : vector<120x400xf32>
    %get3A_15 = arith.constant 0 : index
    %get3A_16 = arith.constant 0 : index
    %get3A_17 = vector.load %arg3[%get3A_15, %get3A_16] : memref<20x400xf32, #tpu.memory_space<vmem>>, vector<20x400xf32>
    %dot_general3A_18 = arith.constant dense<0.000000e+00> : vector<120x400xf32>
    %dot_general3A_19 = tpu.matmul %dot_general3A_7, %get3A_17, %dot_general3A_18 {dimension_numbers = #tpu.dot_dimension_numbers<[1], [0], [0], [1], [0, 0, 1, 1], [], []>, precision = #tpu.contract_precision<fp32>, transpose_lhs_hint = false} : vector<120x20xf32>, vector<20x400xf32>, vector<120x400xf32> -> vector<120x400xf32>
    %div3A_20 = arith.constant 5.242880e+05 : f32
    %div3A_21 = vector.broadcast %div3A_20 : f32 to vector<120x400xf32>
    %div3A_22 = arith.divf %dot_general3A_19, %div3A_21 : vector<120x400xf32>
    %get3A_23 = arith.constant 0 : index
    %get3A_24 = arith.constant 0 : index
    %get3A_25 = vector.load %arg5[%get3A_23, %get3A_24] : memref<20x400xf32, #tpu.memory_space<vmem>>, vector<20x400xf32>
    %dot_general3A_26 = arith.constant dense<0.000000e+00> : vector<120x400xf32>
    %dot_general3A_27 = tpu.matmul %dot_general3A_12, %get3A_25, %dot_general3A_26 {dimension_numbers = #tpu.dot_dimension_numbers<[1], [0], [0], [1], [0, 0, 1, 1], [], []>, precision = #tpu.contract_precision<fp32>, transpose_lhs_hint = false} : vector<120x20xf32>, vector<20x400xf32>, vector<120x400xf32> -> vector<120x400xf32>
    %div3A_28 = arith.constant 5.242880e+05 : f32
    %div3A_29 = vector.broadcast %div3A_28 : f32 to vector<120x400xf32>
    %div3A_30 = arith.divf %dot_general3A_27, %div3A_29 : vector<120x400xf32>
    %mul3A = arith.mulf %div3A_22, %div3A_30 : vector<120x400xf32>
    %div3A_31 = arith.divf %div3A_14, %mul3A : vector<120x400xf32>
    %add3A = arith.constant 1.000000e-10 : f32
    %add3A_32 = vector.broadcast %add3A : f32 to vector<120x400xf32>
    %add3A_33 = arith.addf %div3A_31, %add3A_32 : vector<120x400xf32>
    %log3A = math.log %add3A_33 : vector<120x400xf32>
    %mul3A_34 = arith.mulf %div3A_14, %log3A : vector<120x400xf32>
    %reduce_sum3A_35 = arith.constant dense<0.000000e+00> : vector<120xf32>
    %reduce_sum3A_36 = vector.multi_reduction <add>, %mul3A_34, %reduce_sum3A_35 [1] : vector<120x400xf32> to vector<120xf32>
    %broadcast_in_dim3A = vector.shape_cast %reduce_sum3A_36 : vector<120xf32> to vector<120x1xf32>
    %div3A_37 = arith.constant 5.242880e+05 : f32
    %div3A_38 = vector.broadcast %div3A_37 : f32 to vector<120x20xf32>
    %div3A_39 = arith.divf %dot_general3A_7, %div3A_38 : vector<120x20xf32>
    %div3A_40 = arith.constant 5.242880e+05 : f32
    %div3A_41 = vector.broadcast %div3A_40 : f32 to vector<120x20xf32>
    %div3A_42 = arith.divf %dot_general3A_12, %div3A_41 : vector<120x20xf32>
    %add3A_43 = arith.constant 1.000000e-10 : f32
    %add3A_44 = vector.broadcast %add3A_43 : f32 to vector<120x20xf32>
    %add3A_45 = arith.addf %div3A_39, %add3A_44 : vector<120x20xf32>
    %log3A_46 = math.log %add3A_45 : vector<120x20xf32>
    %mul3A_47 = arith.mulf %div3A_39, %log3A_46 : vector<120x20xf32>
    %reduce_sum3A_48 = arith.constant dense<0.000000e+00> : vector<120xf32>
    %reduce_sum3A_49 = vector.multi_reduction <add>, %mul3A_47, %reduce_sum3A_48 [1] : vector<120x20xf32> to vector<120xf32>
    %broadcast_in_dim3A_50 = vector.shape_cast %reduce_sum3A_49 : vector<120xf32> to vector<120x1xf32>
    %neg3A = arith.constant 0.000000e+00 : f32
    %neg3A_51 = vector.broadcast %neg3A : f32 to vector<120x1xf32>
    %neg3A_52 = arith.subf %neg3A_51, %broadcast_in_dim3A_50 : vector<120x1xf32>
    %add3A_53 = arith.constant 1.000000e-10 : f32
    %add3A_54 = vector.broadcast %add3A_53 : f32 to vector<120x20xf32>
    %add3A_55 = arith.addf %div3A_42, %add3A_54 : vector<120x20xf32>
    %log3A_56 = math.log %add3A_55 : vector<120x20xf32>
    %mul3A_57 = arith.mulf %div3A_42, %log3A_56 : vector<120x20xf32>
    %reduce_sum3A_58 = arith.constant dense<0.000000e+00> : vector<120xf32>
    %reduce_sum3A_59 = vector.multi_reduction <add>, %mul3A_57, %reduce_sum3A_58 [1] : vector<120x20xf32> to vector<120xf32>
    %broadcast_in_dim3A_60 = vector.shape_cast %reduce_sum3A_59 : vector<120xf32> to vector<120x1xf32>
    %neg3A_61 = arith.constant 0.000000e+00 : f32
    %neg3A_62 = vector.broadcast %neg3A_61 : f32 to vector<120x1xf32>
    %neg3A_63 = arith.subf %neg3A_62, %broadcast_in_dim3A_60 : vector<120x1xf32>
    %add3A_64 = arith.addf %neg3A_52, %neg3A_63 : vector<120x1xf32>
    %mul3A_65 = arith.constant 2.000000e+00 : f32
    %mul3A_66 = vector.broadcast %mul3A_65 : f32 to vector<120x1xf32>
    %mul3A_67 = arith.mulf %mul3A_66, %broadcast_in_dim3A : vector<120x1xf32>
    %sub3A = arith.subf %add3A_64, %mul3A_67 : vector<120x1xf32>
    %get3A_68 = arith.constant 0 : index
    %get3A_69 = arith.constant 0 : index
    %get3A_70 = vector.load %arg6[%get3A_68, %get3A_69] : memref<120x16xf32, #tpu.memory_space<vmem>>, vector<120x16xf32>
    %mul3A_71 = vector.broadcast %sub3A : vector<120x1xf32> to vector<120x16xf32>
    %mul3A_72 = arith.mulf %get3A_70, %mul3A_71 : vector<120x16xf32>
    %get3A_73 = arith.constant 0 : index
    %get3A_74 = arith.constant 0 : index
    %get3A_75 = vector.load %arg7[%get3A_73, %get3A_74] : memref<120x16xf32, #tpu.memory_space<vmem>>, vector<120x16xf32>
    %mul3A_76 = vector.broadcast %sub3A : vector<120x1xf32> to vector<120x16xf32>
    %mul3A_77 = arith.mulf %get3A_75, %mul3A_76 : vector<120x16xf32>
    %get3A_78 = arith.constant 0 : index
    %get3A_79 = arith.constant 0 : index
    %get3A_80 = vector.load %arg7[%get3A_78, %get3A_79] : memref<120x16xf32, #tpu.memory_space<vmem>>, vector<120x16xf32>
    %dot_general3A_81 = arith.constant dense<0.000000e+00> : vector<16x16xf32>
    %dot_general3A_82 = tpu.matmul %mul3A_72, %get3A_80, %dot_general3A_81 {dimension_numbers = #tpu.dot_dimension_numbers<[0], [0], [1], [1], [0, 1, 1, 1], [], []>, precision = #tpu.contract_precision<fp32>, transpose_lhs_hint = false} : vector<120x16xf32>, vector<120x16xf32>, vector<16x16xf32> -> vector<16x16xf32>
    %get3A_83 = arith.constant 0 : index
    %get3A_84 = arith.constant 0 : index
    %get3A_85 = vector.load %arg6[%get3A_83, %get3A_84] : memref<120x16xf32, #tpu.memory_space<vmem>>, vector<120x16xf32>
    %dot_general3A_86 = arith.constant dense<0.000000e+00> : vector<16x16xf32>
    %dot_general3A_87 = tpu.matmul %mul3A_77, %get3A_85, %dot_general3A_86 {dimension_numbers = #tpu.dot_dimension_numbers<[0], [0], [1], [1], [0, 1, 1, 1], [], []>, precision = #tpu.contract_precision<fp32>, transpose_lhs_hint = false} : vector<120x16xf32>, vector<120x16xf32>, vector<16x16xf32> -> vector<16x16xf32>
    %add3A_88 = arith.addf %dot_general3A_82, %dot_general3A_87 : vector<16x16xf32>
    %swap3A = arith.constant 0 : index
    %swap3A_89 = arith.constant 0 : index
    %swap3A_90 = vector.load %arg8[%swap3A, %swap3A_89] : memref<16x16xf32, #tpu.memory_space<vmem>>, vector<16x16xf32>
    tpu.vector_store %arg8[%swap3A, %swap3A_89], %add3A_88 {strides = array<i32>} : memref<16x16xf32, #tpu.memory_space<vmem>>, vector<16x16xf32>,
    return
  }
  func.func @transform_0(%arg0: i32) -> (i32, i32, i32) {
    %c0_i32 = arith.constant 0 : i32
    %c0_i32_0 = arith.constant 0 : i32
    %c0_i32_1 = arith.constant 0 : i32
    %c0_i32_2 = arith.constant 0 : i32
    return %c0_i32, %c0_i32_0, %c0_i32_1 : i32, i32, i32
  }
  func.func @transform_1(%arg0: i32) -> (i32, i32) {
    %c0_i32 = arith.constant 0 : i32
    %c0_i32_0 = arith.constant 0 : i32
    %c0_i32_1 = arith.constant 0 : i32
    return %c0_i32, %c0_i32_0 : i32, i32
  }
  func.func @transform_2(%arg0: i32) -> (i32, i32) {
    %c0_i32 = arith.constant 0 : i32
    %c0_i32_0 = arith.constant 0 : i32
    %c0_i32_1 = arith.constant 0 : i32
    return %c0_i32, %c0_i32_0 : i32, i32
  }
  func.func @transform_3(%arg0: i32) -> (i32, i32) {
    %c0_i32 = arith.constant 0 : i32
    %c0_i32_0 = arith.constant 0 : i32
    %c0_i32_1 = arith.constant 0 : i32
    return %c0_i32, %c0_i32_0 : i32, i32
  }
  func.func @transform_4(%arg0: i32) -> (i32, i32) {
    %c0_i32 = arith.constant 0 : i32
    %c0_i32_0 = arith.constant 0 : i32
    %c0_i32_1 = arith.constant 0 : i32
    return %c0_i32, %c0_i32_0 : i32, i32
  }
  func.func @transform_5(%arg0: i32) -> (i32, i32) {
    %c0_i32 = arith.constant 0 : i32
    %c0_i32_0 = arith.constant 0 : i32
    %c0_i32_1 = arith.constant 0 : i32
    return %c0_i32, %c0_i32_0 : i32, i32
  }
  func.func @transform_6(%arg0: i32) -> (i32, i32) {
    %c0_i32 = arith.constant 0 : i32
    %c0_i32_0 = arith.constant 0 : i32
    %c0_i32_1 = arith.constant 0 : i32
    return %c0_i32, %c0_i32_0 : i32, i32
  }
  func.func @transform_7(%arg0: i32) -> (i32, i32) {
    %c0_i32 = arith.constant 0 : i32
    %c0_i32_0 = arith.constant 0 : i32
    %c0_i32_1 = arith.constant 0 : i32
    return %c0_i32, %c0_i32_0 : i32, i32
  }
}

module attributes {stable_mosaic.version = 14 : i64} {
  func.func @_prep_body(%arg0: i32, %arg1: memref<4096x16xf32, #tpu.memory_space<vmem>>, %arg2: memref<16x4096xf32, #tpu.memory_space<vmem>>, %arg3: memref<2x16xf32, #tpu.memory_space<vmem>>, %arg4: memref<1x16xf32, #tpu.memory_space<vmem>>, %arg5: memref<1x16xf32, #tpu.memory_space<vmem>>) attributes {dimension_semantics = [#tpu.dimension_semantics<arbitrary>], iteration_bounds = array<i64: 128>, scalar_prefetch = 0 : i64, scratch_operands = 2 : i64, tpu.core_type = #tpu.core_type<tc>, window_params = [{transform_indices = @transform_0, window_bounds = array<i64: 4096, 16>}, {transform_indices = @transform_1, window_bounds = array<i64: 16, 4096>}, {pipeline_mode = #tpu.pipeline_mode<synchronous>, transform_indices = @transform_2, window_bounds = array<i64: 2, 16>}]} {
    %eq3A = arith.constant 0 : i32
    %eq3A_0 = arith.cmpi eq, %arg0, %eq3A : i32
    %convert_element_type3A = arith.extui %eq3A_0 : i1 to i32
    %cond3A = arith.constant 0 : i32
    %cond3A_1 = arith.cmpi ne, %convert_element_type3A, %cond3A : i32
    scf.if %cond3A_1 {
      %broadcast_in_dim3A_26 = arith.constant 0x7F800000 : f32
      %broadcast_in_dim3A_27 = vector.broadcast %broadcast_in_dim3A_26 : f32 to vector<1x16xf32>
      %swap3A_28 = arith.constant 0 : index
      %swap3A_29 = arith.constant 0 : index
      %swap3A_30 = vector.load %arg4[%swap3A_28, %swap3A_29] : memref<1x16xf32, #tpu.memory_space<vmem>>, vector<1x16xf32>
      tpu.vector_store %arg4[%swap3A_28, %swap3A_29], %broadcast_in_dim3A_27 {strides = array<i32>} : memref<1x16xf32, #tpu.memory_space<vmem>>, vector<1x16xf32>,
      %broadcast_in_dim3A_31 = arith.constant 0xFF800000 : f32
      %broadcast_in_dim3A_32 = vector.broadcast %broadcast_in_dim3A_31 : f32 to vector<1x16xf32>
      %swap3A_33 = arith.constant 0 : index
      %swap3A_34 = arith.constant 0 : index
      %swap3A_35 = vector.load %arg5[%swap3A_33, %swap3A_34] : memref<1x16xf32, #tpu.memory_space<vmem>>, vector<1x16xf32>
      tpu.vector_store %arg5[%swap3A_33, %swap3A_34], %broadcast_in_dim3A_32 {strides = array<i32>} : memref<1x16xf32, #tpu.memory_space<vmem>>, vector<1x16xf32>,
    } else {
    }
    %get3A = arith.constant 0 : index
    %get3A_2 = arith.constant 0 : index
    %get3A_3 = vector.load %arg1[%get3A, %get3A_2] : memref<4096x16xf32, #tpu.memory_space<vmem>>, vector<4096x16xf32>
    %transpose3A = tpu.transpose %get3A_3, [1, 0] : vector<4096x16xf32> -> vector<16x4096xf32>
    %swap3A = arith.constant 0 : index
    %swap3A_4 = arith.constant 0 : index
    %swap3A_5 = vector.load %arg2[%swap3A, %swap3A_4] : memref<16x4096xf32, #tpu.memory_space<vmem>>, vector<16x4096xf32>
    tpu.vector_store %arg2[%swap3A, %swap3A_4], %transpose3A {strides = array<i32>} : memref<16x4096xf32, #tpu.memory_space<vmem>>, vector<16x4096xf32>,
    %get3A_6 = arith.constant 0 : index
    %get3A_7 = arith.constant 0 : index
    %get3A_8 = vector.load %arg4[%get3A_6, %get3A_7] : memref<1x16xf32, #tpu.memory_space<vmem>>, vector<1x16xf32>
    %reduce_min3A = arith.constant dense<0x7F800000> : vector<16xf32>
    %reduce_min3A_9 = vector.multi_reduction <minimumf>, %get3A_3, %reduce_min3A [0] : vector<4096x16xf32> to vector<16xf32>
    %broadcast_in_dim3A = vector.shape_cast %reduce_min3A_9 : vector<16xf32> to vector<1x16xf32>
    %min3A = arith.minimumf %get3A_8, %broadcast_in_dim3A : vector<1x16xf32>
    %swap3A_10 = arith.constant 0 : index
    %swap3A_11 = arith.constant 0 : index
    %swap3A_12 = vector.load %arg4[%swap3A_10, %swap3A_11] : memref<1x16xf32, #tpu.memory_space<vmem>>, vector<1x16xf32>
    tpu.vector_store %arg4[%swap3A_10, %swap3A_11], %min3A {strides = array<i32>} : memref<1x16xf32, #tpu.memory_space<vmem>>, vector<1x16xf32>,
    %get3A_13 = arith.constant 0 : index
    %get3A_14 = arith.constant 0 : index
    %get3A_15 = vector.load %arg5[%get3A_13, %get3A_14] : memref<1x16xf32, #tpu.memory_space<vmem>>, vector<1x16xf32>
    %reduce_max3A = arith.constant dense<0xFF800000> : vector<16xf32>
    %reduce_max3A_16 = vector.multi_reduction <maximumf>, %get3A_3, %reduce_max3A [0] : vector<4096x16xf32> to vector<16xf32>
    %broadcast_in_dim3A_17 = vector.shape_cast %reduce_max3A_16 : vector<16xf32> to vector<1x16xf32>
    %max3A = arith.maximumf %get3A_15, %broadcast_in_dim3A_17 : vector<1x16xf32>
    %swap3A_18 = arith.constant 0 : index
    %swap3A_19 = arith.constant 0 : index
    %swap3A_20 = vector.load %arg5[%swap3A_18, %swap3A_19] : memref<1x16xf32, #tpu.memory_space<vmem>>, vector<1x16xf32>
    tpu.vector_store %arg5[%swap3A_18, %swap3A_19], %max3A {strides = array<i32>} : memref<1x16xf32, #tpu.memory_space<vmem>>, vector<1x16xf32>,
    %eq3A_21 = arith.constant 127 : i32
    %eq3A_22 = arith.cmpi eq, %arg0, %eq3A_21 : i32
    %convert_element_type3A_23 = arith.extui %eq3A_22 : i1 to i32
    %cond3A_24 = arith.constant 0 : i32
    %cond3A_25 = arith.cmpi ne, %convert_element_type3A_23, %cond3A_24 : i32
    scf.if %cond3A_25 {
      %get3A_26 = arith.constant 0 : index
      %get3A_27 = arith.constant 0 : index
      %get3A_28 = vector.load %arg4[%get3A_26, %get3A_27] : memref<1x16xf32, #tpu.memory_space<vmem>>, vector<1x16xf32>
      %swap3A_29 = arith.constant 0 : index
      %swap3A_30 = arith.constant 0 : index
      %swap3A_31 = vector.load %arg3[%swap3A_29, %swap3A_30] : memref<2x16xf32, #tpu.memory_space<vmem>>, vector<1x16xf32>
      tpu.vector_store %arg3[%swap3A_29, %swap3A_30], %get3A_28 {strides = array<i32>} : memref<2x16xf32, #tpu.memory_space<vmem>>, vector<1x16xf32>,
      %get3A_32 = arith.constant 0 : index
      %get3A_33 = arith.constant 0 : index
      %get3A_34 = vector.load %arg5[%get3A_32, %get3A_33] : memref<1x16xf32, #tpu.memory_space<vmem>>, vector<1x16xf32>
      %swap3A_35 = arith.constant 1 : index
      %swap3A_36 = arith.constant 0 : index
      %swap3A_37 = vector.load %arg3[%swap3A_35, %swap3A_36] : memref<2x16xf32, #tpu.memory_space<vmem>>, vector<1x16xf32>
      tpu.vector_store %arg3[%swap3A_35, %swap3A_36], %get3A_34 {strides = array<i32>} : memref<2x16xf32, #tpu.memory_space<vmem>>, vector<1x16xf32>,
    } else {
    }
    return
  }
  func.func @transform_0(%arg0: i32) -> (i32, i32) {
    %c0_i32 = arith.constant 0 : i32
    %c0_i32_0 = arith.constant 0 : i32
    return %arg0, %c0_i32 : i32, i32
  }
  func.func @transform_1(%arg0: i32) -> (i32, i32) {
    %c0_i32 = arith.constant 0 : i32
    %c0_i32_0 = arith.constant 0 : i32
    return %c0_i32, %arg0 : i32, i32
  }
  func.func @transform_2(%arg0: i32) -> (i32, i32) {
    %c0_i32 = arith.constant 0 : i32
    %c0_i32_0 = arith.constant 0 : i32
    %c0_i32_1 = arith.constant 0 : i32
    return %c0_i32, %c0_i32_0 : i32, i32
  }
}

</mosaic_0001>

<sc_bundles>
// kernel: kernel.5.cloned.1.call-start
scs
__scs_entry_jumppad:
0x0: {  	(pc) =	sbr.rel $0x88, $3  }
0x1: {  	(tag) =	ssettag $0x0;
	lr =	simm.s32 $0x1  }
0x2: {  	[smem:$0x3FA0] =	sst lr;
	_ =	strace $0xD0000000  }
0x3: {  	_ = 	snop  }
0x4: {  	_ = 	snop  }
0x5: {  	_ = 	snop  }
0x6: {  	_ = 	snop  }
0x7: {  	_ = 	snop  }
__scs_overlays_trampoline_lowered:
0x8: {  	[smem:$0x3FAF] =	sst s0  }
0x9: {  	[smem:$0x3FB0] =	sst s1  }
0xa: {  	[smem:$0x3FB1] =	sst s2  }
0xb: {  	[smem:$0x3FB2] =	sst s3  }
0xc: {  	[smem:$0x3FB3] =	sst s4  }
0xd: {  	[smem:$0x3FB4] =	sst s5  }
0xe: {  	[smem:$0x3FB5] =	sst s6  }
0xf: {  	[smem:$0x3FB6] =	sst s7  }
0x10: {  	[smem:$0x3FB7] =	sst s8  }
0x11: {  	[smem:$0x3FB8] =	sst s9;
	s0 =	simm.s32 @!p0 $0x0  }
0x12: {  	s1 =	sld [smem:$0x3F9E];
	s0 =	simm.s32 @p0 $0x1  }
0x13: {  	[smem:$0x3FB9] =	sst s0;
	s0 =	simm.s32 @!p1 $0x0  }
0x14: {  	s2 =	sld [smem:$0x3F9D];
	s0 =	simm.s32 @p1 $0x1  }
0x15: {  	[smem:$0x3FBA] =	sst s0;
	s0 =	simm.s32 @!p2 $0x0  }
0x16: {  	s3 =	sld [smem:$0x3FDB];
	s0 =	simm.s32 @p2 $0x1  }
0x17: {  	s4 =	simm.s32 $0x1BF5;
	[smem:$0x3FBC] =	sst s0  }
0x18: {  	s0 =	sld [smem:$0x3F9F];
	_ =	swait.ge [sflag:s4], $0x0  }
0x19: {  	s7 =	sld [smem:$0x3FA0]  }
0x1a: {  	s8 =	sadd.s32 $0xFFFFE003, lr  }
0x1b: {  	s9 =	sadd.s32 $0xFFFFFEF7, lr;
	s5 =	simm.s32 $0xFFFFFFFF;
	p2 =	slt.u32 s8, $0xFFFFF086  }
0x1c: {  	p1 =	slt.u32 s9, $0xF7A;
	s5 =	simm.s32 @!p2 $0x0  }
0x1d: {  	s5 =	simm.s32 @p1 $0x1;
	p0 =	seq.s32 s7, s2  }
0x1e: {  	s7 =	smul.u32 @!p0 $0xF7A, s2;
	p2 =	seq.s32 @!p0 s5, $0x0  }
0x1f: {  	s9 =	smul.u32 $0xF7A, s1;
	s8 =	simm.s32 @!p0 $0x1BF5;
	p2 =	por !p2, p0  }
0x20: {  	[sflag:s8] =	ssyncset.s32 @!p0 $0xFFFFF086;
	s6 =	sadd.s32 @!p0 s3, s7;
	s7 =	simm.s32 @!p0 $0x108  }
0x21: {  	s3 =	sadd.s32 s3, s9;
	s6 =	sadd.s32 @!p0 $0x88, s6;
	s7 =	simm.s32 @p2 $0x1082  }
0x22: {  	[simem:s7], [sflag:s8] =	dma.local @!p0 [hbm:s6], $0xF7A  }
0x23: {  	s9 =	sor.u32 $0xD0000000, s2;
	s6 =	simm.s32 $0x108;
	_ =	swait.ge @!p0 [sflag:s8], $0x0  }
0x24: {  	s3 =	sadd.s32 $0x88, s3;
	s6 =	simm.s32 @!p1 $0x1082;
	[sflag:s4] =	ssyncset.s32 $0xFFFFF086  }
0x25: {  	[simem:s6], [sflag:s4] =	dma.local [hbm:s3], $0xF7A  }
0x26: {  	[smem:$0x3FA0] =	sst s1;
	(tag) =	ssettag s2;
	_ =	strace s9  }
0x27: {  	s1 =	sld [smem:$0x3FB0]  }
0x28: {  	s2 =	sld [smem:$0x3FB1]  }
0x29: {  	s4 =	sld [smem:$0x3FB3]  }
0x2a: {  	p0 =	seq.s32 s5, $0x0;
	s5 =	sld [smem:$0x3FB4]  }
0x2b: {  	s6 =	sld [smem:$0x3FB5]  }
0x2c: {  	s7 =	sld [smem:$0x3FB6]  }
0x2d: {  	s3 =	simm.s32 $0x108;
	s8 =	sld [smem:$0x3FB7]  }
0x2e: {  	s3 =	simm.s32 @!p0 $0x1082;
	s9 =	sld [smem:$0x3FB8]  }
0x2f: {  	lr =	sadd.s32 s0, s3;
	s0 =	sld [smem:$0x3FAF]  }
0x30: {  	s3 =	sld [smem:$0x3FB2]  }
0x31: {  	[smem:$0x3FBB] =	sst s10  }
0x32: {  	s10 =	sld [smem:$0x3FB9];
	_ =	sdelay $0x3  }
0x33: {  	p0 =	seq.s32 s10, $0x1;
	s10 =	sld [smem:$0x3FBB];
	_ =	sdelay $0x3  }
0x34: {  	[smem:$0x3FBB] =	sst s10  }
0x35: {  	s10 =	sld [smem:$0x3FBA];
	_ =	sdelay $0x3  }
0x36: {  	p1 =	seq.s32 s10, $0x1;
	s10 =	sld [smem:$0x3FBB];
	_ =	sdelay $0x3  }
0x37: {  	[smem:$0x3FBB] =	sst s10  }
0x38: {  	s10 =	sld [smem:$0x3FBC]  }
0x39: {  	_ = 	snop;
	(pc) =	sbr.ind lr, $3  }
0x3a: {  	_ = 	snop  }
0x3b: {  	_ = 	snop  }
0x3c: {  	p2 =	seq.s32 s10, $0x1;
	s10 =	sld [smem:$0x3FBB]  }
0x3d: {  	_ =	shalt  }
0x3e: {  	_ =	shalt  }
0x3f: {  	_ =	shalt  }
0x40: {  	_ =	shalt  }
0x41: {  	_ =	shalt  }
0x42: {  	_ =	shalt  }
0x43: {  	_ =	shalt  }
0x44: {  	_ =	shalt  }
0x45: {  	_ =	shalt  }
0x46: {  	_ =	shalt  }
0x47: {  	_ =	shalt  }
0x48: {  	_ =	shalt  }
0x49: {  	_ =	shalt  }
0x4a: {  	_ =	shalt  }
0x4b: {  	_ =	shalt  }
0x4c: {  	_ =	shalt  }
0x4d: {  	_ =	shalt  }
0x4e: {  	_ =	shalt  }
0x4f: {  	_ =	shalt  }
0x50: {  	_ =	shalt  }
0x51: {  	_ =	shalt  }
0x52: {  	_ =	shalt  }
0x53: {  	_ =	shalt  }
0x54: {  	_ =	shalt  }
0x55: {  	_ =	shalt  }
0x56: {  	_ =	shalt  }
0x57: {  	_ =	shalt  }
0x58: {  	_ =	shalt  }
0x59: {  	_ =	shalt  }
0x5a: {  	_ =	shalt  }
0x5b: {  	_ =	shalt  }
0x5c: {  	_ =	shalt  }
0x5d: {  	_ =	shalt  }
0x5e: {  	_ =	shalt  }
0x5f: {  	_ =	shalt  }
0x60: {  	_ =	shalt  }
0x61: {  	_ =	shalt  }
0x62: {  	_ =	shalt  }
0x63: {  	_ =	shalt  }
0x64: {  	_ =	shalt  }
0x65: {  	_ =	shalt  }
0x66: {  	_ =	shalt  }
0x67: {  	_ =	shalt  }
0x68: {  	_ =	shalt  }
0x69: {  	_ =	shalt  }
0x6a: {  	_ =	shalt  }
0x6b: {  	_ =	shalt  }
0x6c: {  	_ =	shalt  }
0x6d: {  	_ =	shalt  }
0x6e: {  	_ =	shalt  }
0x6f: {  	_ =	shalt  }
0x70: {  	_ =	shalt  }
0x71: {  	_ =	shalt  }
0x72: {  	_ =	shalt  }
0x73: {  	_ =	shalt  }
0x74: {  	_ =	shalt  }
0x75: {  	_ =	shalt  }
0x76: {  	_ =	shalt  }
0x77: {  	_ =	shalt  }
0x78: {  	_ =	shalt  }
0x79: {  	_ =	shalt  }
0x7a: {  	_ =	shalt  }
0x7b: {  	_ =	shalt  }
0x7c: {  	_ =	shalt  }
0x7d: {  	_ =	shalt  }
0x7e: {  	_ =	shalt  }
0x7f: {  	_ =	shalt  }
0x80: {  	_ =	shalt  }
0x81: {  	_ =	shalt  }
0x82: {  	_ =	shalt  }
0x83: {  	_ =	shalt  }
0x84: {  	_ =	shalt  }
0x85: {  	_ =	shalt  }
0x86: {  	_ =	shalt  }
0x87: {  	_ =	shalt  }
.Lfunc_end0:
.L_simem_size_0:
called_computation_lowered:
.L_overlay_start_0:
0x88: {  	s2 =	sld [smem:$0x3FD9]  }
0x89: {  	s3 =	sld [smem:$0x3FFE];
	_ =	sdelay $0x1  }
0x8a: {  	s1 =	srdreg.scid  }
0x8b: {  	s0 =	sand.u32 $0x1, s1  }
0x8c: {  	s17 =	sshll.u32 s0, $0xA;
	s2 =	sadd.s32 s3, s2  }
0x8d: {  	s2 =	sadd.s32 s2, s17  }
0x8e: {  	[smem:$0x3FC7] =	sst s2  }
0x8f: {  	_ = 	snop  }
0x90: {  	s2 =	sld [smem:$0x3FD0];
	(tm) =	ssettm $0x1  }
0x91: {  	s18 =	sld [smem:$0x3FFB];
	_ =	sdelay $0x3  }
0x92: {  	_ =	strace s18  }
0x93: {  	s3 =	sld [smem:$0x3FFC];
	_ =	sdelay $0x3  }
0x94: {  	_ =	strace s3  }
0x95: {  	s3 =	sld [smem:$0x3FFD];
	_ =	sdelay $0x3  }
0x96: {  	_ =	strace s3  }
0x97: {  	_ =	strace $0x8FFFFFFF  }
0x98: {  	s19 =	sld [smem:$0x3FDB];
	_ =	sdelay $0x1  }
0x99: {  	s4 =	simm.s32 $_scs_section_size  }
0x9a: {  	s5 =	simm.s32 $_size__tile_overlayer_lowered;
	s6 =	simm.s32 $_tile_overlayer_lowered  }
0x9b: {  	s22 =	simm.s32 $0x1BFF;
	s21 =	sshll.u32 s6, $0x1;
	s3 =	sadd.s32 s4, s19  }
0x9c: {  	s7 =	simm.s32 $0x0;
	s20 =	sshll.u32 s5, $0x1;
	s5 =	sadd.s32 s21, s3  }
0x9d: {  	[timem:s7], [sflag:s22] =	dma.local [hbm:s5], s20  }
0x9e: {  	_ =	swait.ge [sflag:s22], s20  }
0x9f: {  	s4 =	ssub.s32 $0x0, s20;
	[sflag:s22] =	ssyncset.done $0x0  }
0xa0: {  	[sflag:s22] =	ssyncadd.s32 s4;
	_ =	sdelay $0x1  }
0xa1: {  	s23 =	simm.s32 $0x1B8B  }
0xa2: {  	_ =	swait.ge [sflag:s23], $0x1  }
0xa3: {  	[sflag:s23] =	ssyncset.done $0x0  }
0xa4: {  	s25 =	simm.s32 $0x1B8E;
	s24 =	sld [smem:$0x3FFE];
	[sflag:s23] =	ssyncadd.s32 $0xFFFFFFFF  }
0xa5: {  	s26 =	simm.s32 $execute0_lowered;
	[smem:$0x3FD2] =	sst s25  }
0xa6: {  	s5 =	sshll.u32 s26, $0x1;
	_ =	strace $0x80000046;
	[dreg:$0x1] =	wrdreg $0xFFFFFFFF  }
0xa7: {  	s28 =	simm.s32 $_size_execute0_lowered;
	s3 =	sadd.s32 s3, s5;
	[dreg:$0x0] =	wrdreg $0x0  }
0xa8: {  	s5 =	sshll.u32 s28, $0x1;
	[dreg:$0x2] =	wrdreg s3  }
0xa9: {  	[dreg:$0x3] =	wrdreg s5  }
0xaa: {  	[dreg:$0x4] =	wrdreg $0xC0  }
0xab: {  	_ =	task [dreg:s7], $0x5FFFF  }
0xac: {  	[dreg:$0x1] =	wrdreg $0xFFFFFFFF  }
0xad: {  	[dreg:$0x0] =	wrdreg $0x60  }
0xae: {  	[dreg:$0x2] =	wrdreg s24  }
0xaf: {  	[dreg:$0x3] =	wrdreg s2  }
0xb0: {  	[dreg:$0x4] =	wrdreg $0x9  }
0xb1: {  	_ =	task.clear_ibuf [dreg:s7], $0x5FFFF;
	_ =	strace $0x90000046  }
0xb2: {  	s29 =	simm.s32 $0x9;
	_ =	strace $0x80000048  }
0xb3: {  	_ =	swait.ge [sflag:s29], $0x1  }
0xb4: {  	[sflag:s29] =	ssyncadd.s32 $0xFFFFFFFF  }
0xb5: {  	_ =	strace $0x90000048  }
0xb6: {  	_ =	sfence  }
0xb7: {  	s30 =	sld [smem:$0x0];
	_ =	sdelay $0x2  }
0xb8: {  	s31 =	sshll.u32 s1, $0xD;
	s1 =	sshrl.u32 s1, $0x2  }
0xb9: {  	s3 =	sand.u32 $0x4000, s31;
	s1 =	sadd.s32 s1, s30  }
0xba: {  	s0 =	sor.u32 s3, s0;
	s1 =	sshll.u32 s1, $0x11  }
0xbb: {  	s0 =	sor.u32 s1, s0  }
0xbc: {  	s0 =	sadd.s32 $0x8F2B, s0  }
0xbd: {  	[sflag:s0] =	ssyncadd.remote.s32 $0x1  }
0xbe: {  	_ =	sfence.sel $0xFFFF  }
0xbf: {  	[dreg:$0x0] =	wrdreg $0xFFFFFFFF;
	(pc) =	sbr.abs _section_cstart, $3  }
0xc0: {  	[dreg:$0x1] =	wrdreg $0xFFFFFFFF  }
0xc1: {  	_ =	task.clear_ibuf [dreg:s7], $0x2FFFF;
	_ =	strace $0x9FFFFFFF  }
0xc2: {  	(tm) =	ssettm $0x7FFFFFFF  }
0xc3: {  	_ =	shalt  }
tec
execute0_lowered:
.L_overlay_start_1:
0x0: {  	(tag) =	ssettag $0x1  }
0x1: {  	s5 =	rddreg [dreg:$0x0]  }
0x2: {  	s1 =	rddreg [dreg:$0x1];
	s3 =	simm.s32 $0x0  }
0x3: {  	[smem:$0x7FF] =	sst s3  }
0x4: {  	s0 =	rddreg [dreg:$0x2];
	v0 =	vimm.f32 $2.000000000e+01;
	_ =	strace $0x80000047  }
0x5: {  	(erf) = vrcp.f32 v0  }
0x6: {  	s4 =	srdreg.scid;
	s2 =	stileid.u32  }
0x7: {  	s9 =	simm.s32 $0x1;
	s10 =	simm.s32 $0x10100;
	s11 =	simm.s32 $0x8000  }
0x8: {  	s12 =	simm.s32 $0x400000;
	s4 =	sand.u32 $0x1, s4;
	s6 =	sshll.u32 s2, $0x1  }
0x9: {  	s13 =	simm.s32 $0x80;
	s7 =	sshrl.u32 s2, $0x2;
	s6 =	sor.u32 s4, s6  }
0xa: {  	s14 =	simm.s32 $0x400;
	s7 =	smul.u32 $0x5DC00, s7;
	s8 =	sshll.u32 s6, $0x7  }
0xb: {  	s15 =	simm.s32 $0x0;
	s30 =	ssub.s32 $0x2, s4;
	s8 =	sand.u32 $0x380, s8  }
0xc: {  	s4 =	sadd.s32 $0x1400, s5;
	s6 =	sshll.u32 s6, $0xE;
	s7 =	sor.u32 s7, s8  }
0xd: {  	s31 =	sshrl.u32 s30, $0x1;
	s6 =	sadd.s32 s6, s5;
	s7 =	sshrl.u32 s7, $0x3  }
0xe: {  	s8 =	ssub.s32 s30, s31;
	s7 =	sadd.s32 s7, s5;
	s5 =	sadd.s32 $0x801400, s6;
	v0 =	vpop (erf)  }
0xf: {  	v1 =	vimm.f32 $1.000000000e+00;
	s6 =	sadd.s32 $0x2C00, s7;
	s7 =	smax.u32 s8, $0x1;
	s8 =	simm.s32 $0x10000;
	[tilespmem:$0x1FFF0] =	vst v0  }
.LBB2_1:
0x10: {  	[tilespmem:s8], [sflag:$0x1] =	stream.linear.gather [hbm4b:s1+s3], $0x100, $0x38;
	[tilespmem:$0x1BC80] =	vst v63  }
0x11: {  	_ =	swait.ge [sflag:s9], $0x100  }
0x12: {  	[sflag:s9] =	ssyncset.done $0x0  }
0x13: {  	[sflag:s9] =	ssyncadd.s32 $0xFFFFFF00  }
0x14: {  	[tilespmem:s10], [sflag:$0x1] =	stream.linear.gather [hbm4b:s4+s3], $0xBB80, $0x38;
	[tilespmem:$0x1BC80] =	vst v63  }
0x15: {  	_ =	swait.ge [sflag:s9], $0xBB80  }
0x16: {  	[sflag:s9] =	ssyncset.done $0x0  }
0x17: {  	[sflag:s9] =	ssyncadd.s32 $0xFFFF4480  }
0x18: {  	v32 =	vld [tilespmem:$0x10000]  }
0x19: {  	v2 =	vld [tilespmem:$0x10080];
	_ =	sdelay $0x1  }
0x1a: {  	v0 =	vld [tilespmem:$0x1FFF0];
	_ =	sdelay $0x2  }
0x1b: {  	v2 =	vsub.f32 v2, v32;
	_ =	sdelay $0x1  }
0x1c: {  	v7 =	vmul.f32 v2, v0;
	_ =	sdelay $0x1  }
0x1d: {  	v2 =	vbroadcast v7, $0x0  }
0x1e: {  	v3 =	vbroadcast v7, $0x1  }
0x1f: {  	(erf) = vrcp.f32 v2;
	v2 =	vbroadcast v7, $0x2  }
0x20: {  	(erf) = vrcp.f32 v3;
	v3 =	vbroadcast v7, $0x3  }
0x21: {  	(erf) = vrcp.f32 v2;
	v2 =	vbroadcast v7, $0x4  }
0x22: {  	(erf) = vrcp.f32 v3;
	v3 =	vbroadcast v7, $0x5  }
0x23: {  	(erf) = vrcp.f32 v2;
	v2 =	vbroadcast v7, $0x6  }
0x24: {  	(erf) = vrcp.f32 v3;
	v3 =	vbroadcast v7, $0x7  }
0x25: {  	(erf) = vrcp.f32 v2;
	v2 =	vbroadcast v7, $0x8  }
0x26: {  	(erf) = vrcp.f32 v3;
	v3 =	vbroadcast v7, $0x9  }
0x27: {  	v4 =	vbroadcast v7, $0xA;
	(erf) = vrcp.f32 v2  }
0x28: {  	v5 =	vbroadcast v7, $0xB;
	v0 =	vpop (erf);
	(erf) = vrcp.f32 v3  }
0x29: {  	v6 =	vbroadcast v7, $0xC;
	v2 =	vpop (erf);
	(erf) = vrcp.f32 v4  }
0x2a: {  	v8 =	vbroadcast v7, $0xD;
	v3 =	vpop (erf);
	(erf) = vrcp.f32 v5  }
0x2b: {  	v9 =	vbroadcast v7, $0xE;
	v4 =	vpop (erf);
	(erf) = vrcp.f32 v6  }
0x2c: {  	v10 =	vbroadcast v7, $0xF;
	v5 =	vpop (erf);
	(erf) = vrcp.f32 v8  }
0x2d: {  	v11 =	vpop (erf);
	(erf) = vrcp.f32 v9  }
0x2e: {  	v12 =	vpop (erf);
	(erf) = vrcp.f32 v10  }
0x2f: {  	v13 =	vpop (erf)  }
0x30: {  	v14 =	vpop (erf)  }
0x31: {  	v15 =	vbroadcast v32, $0x0;
	v16 =	vbroadcast v32, $0x1;
	v17 =	vpop (erf)  }
0x32: {  	v18 =	vbroadcast v32, $0x2;
	v19 =	vbroadcast v32, $0x3;
	v20 =	vpop (erf)  }
0x33: {  	v21 =	vbroadcast v32, $0x4;
	v7 =	vbroadcast v32, $0xC;
	v23 =	vpop (erf)  }
0x34: {  	v22 =	vbroadcast v32, $0x5;
	v24 =	vbroadcast v32, $0x6;
	v26 =	vpop (erf)  }
0x35: {  	v25 =	vbroadcast v32, $0x7;
	[tilespmem:$0x1FFB0] =	vst v7;
	v9 =	vbroadcast v32, $0xF;
	v30 =	vpop (erf)  }
0x36: {  	v27 =	vbroadcast v32, $0x8;
	v28 =	vbroadcast v32, $0x9;
	[tilespmem:$0x1FFC0] =	vst v11;
	v6 =	vpop (erf)  }
0x37: {  	v29 =	vbroadcast v32, $0xA;
	v31 =	vbroadcast v32, $0xB;
	[tilespmem:$0x1FFD0] =	vst v9;
	v10 =	vpop (erf)  }
0x38: {  	s16 =	simm.s32 $0x0;
	v33 =	vbroadcast v32, $0xD;
	v8 =	vbroadcast v32, $0xE;
	[tilespmem:$0x1FFE0] =	vst v10  }
.LBB2_2:
0x39: {  	s17 =	sshll.u32 s16, $0xC  }
0x3a: {  	s18 =	sadd.s32 s17, s5;
	s17 =	simm.s32 $0x0  }
0x3b: {  	[tilespmem:s17], [sflag:$0x1] =	stream.strided.gather [hbm4b:s18+s11], $0x10000, s12, s11, $0x38;
	[tilespmem:$0x1BC80] =	vst v63  }
0x3c: {  	_ =	swait.ge [sflag:s9], $0x10000  }
0x3d: {  	[sflag:s9] =	ssyncset.done $0x0  }
0x3e: {  	s19 =	simm.s32 $0x0;
	s18 =	simm.s32 $0x0;
	[sflag:s9] =	ssyncadd.s32 $0xFFFF0000  }
.LBB2_3:
0x3f: {  	s20 =	sand.u32 $0x70, s19;
	s21 =	sand.u32 $0x7C00, s18  }
0x40: {  	s20 =	sor.u32 s20, s21  }
0x41: {  	v34 =	vld [tilespmem:s20+$0x0]  }
0x42: {  	v35 =	vld [tilespmem:s20+$0x80]  }
0x43: {  	v36 =	vld [tilespmem:s20+$0x100]  }
0x44: {  	v37 =	vld [tilespmem:s20+$0x180]  }
0x45: {  	v38 =	vld [tilespmem:s20+$0x200]  }
0x46: {  	v39 =	vld [tilespmem:s20+$0x280]  }
0x47: {  	s31 =	sand.u32 $0x7, s17;
	v40 =	vld [tilespmem:s20+$0x300]  }
0x48: {  	s21 =	sshll.u32 s31, $0x4;
	v45 =	vld [tilespmem:s20+$0x8380]  }
0x49: {  	s21 =	sadd.s32 s21, s18;
	v34 =	vsub.f32 v34, v15;
	v35 =	vsub.f32 v35, v16  }
0x4a: {  	s21 =	sor.u32 $0x380, s21;
	v36 =	vsub.f32 v36, v18;
	v37 =	vsub.f32 v37, v19  }
0x4b: {  	v42 =	vld [tilespmem:s21+$0x0];
	v38 =	vsub.f32 v38, v21;
	v39 =	vsub.f32 v39, v22;
	v34 =	vmul.f32 v34, v0  }
0x4c: {  	v50 =	vld [tilespmem:s20+$0x8000];
	v40 =	vsub.f32 v40, v24;
	v35 =	vmul.f32 v35, v2;
	v36 =	vmul.f32 v36, v3  }
0x4d: {  	v45 =	vsub.f32 v45, v9;
	v37 =	vmul.f32 v37, v4;
	v38 =	vmul.f32 v38, v5  }
0x4e: {  	v49 =	vmul.f32 v39, v11;
	v40 =	vmul.f32 v40, v12  }
0x4f: {  	v45 =	vmul.f32 v45, v10;
	v34 =	vtrunc.f32 v34  }
0x50: {  	v42 =	vsub.f32 v42, v25;
	v35 =	vtrunc.f32 v35;
	v36 =	vtrunc.f32 v36  }
0x51: {  	v39 =	vsub.f32 v50, v27;
	v37 =	vtrunc.f32 v37;
	v38 =	vtrunc.f32 v38  }
0x52: {  	v59 =	vtrunc.f32 v40;
	v60 =	vmul.f32 v42, v13  }
0x53: {  	v39 =	vmul.f32 v39, v14;
	v45 =	vtrunc.f32 v45  }
0x54: {  	v54 =	vld [tilespmem:s20+$0x8280];
	v34 =	vcvt.f32.s32 v34;
	v35 =	vcvt.f32.s32 v35  }
0x55: {  	v50 =	vld [tilespmem:s20+$0x8200];
	v36 =	vcvt.f32.s32 v36;
	v37 =	vcvt.f32.s32 v37  }
0x56: {  	v57 =	vld [tilespmem:s20+$0x8080];
	v38 =	vcvt.f32.s32 v38;
	v61 =	vcvt.f32.s32 v59  }
0x57: {  	v62 =	vld [tilespmem:s20+$0x8100];
	v40 =	vtrunc.f32 v60;
	v39 =	vtrunc.f32 v39;
	vm0 =	vgt.s32 v34, $0x0  }
0x58: {  	v44 =	vld [tilespmem:s20+$0x8300];
	vm13 =	vgt.s32 v35, $0x0;
	vm14 =	vgt.s32 v36, $0x0;
	vm15 =	vgt.s32 v37, $0x0  }
0x59: {  	vm4 =	vgt.s32 v38, $0x0;
	vm6 =	vgt.s32 v61, $0x0;
	v63 =	vcvt.f32.s32 v40  }
0x5a: {  	v52 =	vcvt.f32.s32 v39;
	v59 =	vsub.f32 v50, v7;
	v39 =	vsub.f32 v54, v33  }
0x5b: {  	v34 =	vnsel vm0, $0x0, v34;
	v35 =	vnsel vm13, $0x0, v35;
	v36 =	vnsel vm14, $0x0, v36  }
0x5c: {  	v48 =	vld [tilespmem:s20+$0x8180];
	v56 =	vnsel vm15, $0x0, v37;
	v58 =	vnsel vm4, $0x0, v38;
	v37 =	vsub.f32 v57, v28  }
0x5d: {  	v38 =	vsub.f32 v62, v29;
	v62 =	vsub.f32 v44, v8;
	v44 =	vcvt.f32.s32 v45  }
0x5e: {  	v34 =	vmin.u32 v34, $0x13;
	v41 =	vmin.u32 v35, $0x13;
	v35 =	vtrunc.f32 v49  }
0x5f: {  	v55 =	vmin.u32 v36, $0x13;
	v53 =	vmin.u32 v56, $0x13;
	v51 =	vmin.u32 v58, $0x13  }
0x60: {  	v36 =	vnsel vm6, $0x0, v61;
	vm7 =	vgt.s32 v63, $0x0;
	vm8 =	vgt.s32 v52, $0x0  }
0x61: {  	v58 =	vsub.f32 v48, v31;
	v39 =	vmul.f32 v39, v30;
	v35 =	vcvt.f32.s32 v35  }
0x62: {  	v37 =	vmul.f32 v37, v17;
	v46 =	vmin.u32 v36, $0x13;
	v36 =	vnsel vm8, $0x0, v52  }
0x63: {  	v57 =	vmul.f32 v38, v20;
	v42 =	vmul.f32 v62, v6;
	v47 =	vmul.u32 $0x14, v34  }
0x64: {  	vm15 =	vgt.s32 v44, $0x0;
	v40 =	vmin.u32 v36, $0x13;
	v60 =	vmul.f32 v58, v23  }
0x65: {  	v36 =	vmul.f32 v59, v26;
	v39 =	vtrunc.f32 v39;
	v58 =	vor.u32 $0x320, v55  }
0x66: {  	v59 =	vadd.s32 $0x4B0, v53;
	v44 =	vnsel vm15, $0x0, v44;
	v37 =	vtrunc.f32 v37  }
0x67: {  	vm5 =	vgt.s32 v35, $0x0;
	v39 =	vcvt.f32.s32 v39;
	v32 =	vtrunc.f32 v42  }
0x68: {  	v48 =	vadd.s32 v41, v47;
	v52 =	vor.u32 $0xC80, v40;
	v56 =	vcvt.f32.s32 v37  }
0x69: {  	v35 =	vnsel vm5, $0x0, v35;
	v37 =	vtrunc.f32 v57;
	v61 =	vtrunc.f32 v60  }
0x6a: {  	v36 =	vtrunc.f32 v36;
	v57 =	vadd.s32 $0xFFFFFE70, v47;
	v60 =	vor.u32 $0x640, v51  }
0x6b: {  	v49 =	vmin.u32 v35, $0x13;
	v35 =	vnsel vm7, $0x0, v63;
	v37 =	vcvt.f32.s32 v37  }
0x6c: {  	v36 =	vcvt.f32.s32 v36;
	vm13 =	vgt.s32 v39, $0x0;
	vm9 =	vgt.s32 v56, $0x0  }
0x6d: {  	v50 =	vadd.s32 v57, v58;
	v43 =	vmin.u32 v35, $0x13;
	v35 =	vnsel vm9, $0x0, v56  }
0x6e: {  	v47 =	vadd.s32 v57, v59;
	v38 =	vmin.u32 v35, $0x13;
	v35 =	vcvt.f32.s32 v61  }
0x6f: {  	v7 =	vmovc v2;
	v62 =	vadd.s32 v57, v60;
	v2 =	vadd.s32 v57, v52;
	v39 =	vnsel vm13, $0x0, v39  }
0x70: {  	vm12 =	vgt.s32 v36, $0x0;
	v56 =	vor.u32 $0x960, v46;
	vm11 =	vgt.s32 v35, $0x0  }
0x71: {  	v63 =	vnsel vm12, $0x0, v36;
	v61 =	vadd.s32 $0x7D0, v49;
	v35 =	vnsel vm11, $0x0, v35  }
0x72: {  	v36 =	vmin.u32 v35, $0x13;
	v35 =	vmin.u32 v63, $0x13;
	v63 =	vadd.s32 v57, v61  }
0x73: {  	vm10 =	vgt.s32 v37, $0x0;
	v54 =	vadd.s32 $0xAF0, v43;
	[tilespmem:v48+s10+$0x0] =	vst.idx.add.f32.msk $0xffff, v1;
	v42 =	vadd.s32 v57, v56  }
0x74: {  	v11 =	vmovc v0;
	v34 =	vmin.u32 v39, $0x13;
	v37 =	vnsel vm10, $0x0, v37;
	v0 =	vadd.s32 v57, v54;
	[tilespmem:v50+s10+$0x0] =	vst.idx.add.f32.msk $0xffff, v1  }
0x75: {  	v9 =	vmovc v4;
	v39 =	vcvt.f32.s32 v32;
	v37 =	vmin.u32 v37, $0x13;
	v50 =	vadd.s32 $0xE10, v38;
	[tilespmem:v47+s10+$0x0] =	vst.idx.add.f32.msk $0xffff, v1  }
0x76: {  	v4 =	vmin.u32 v44, $0x13;
	v32 =	vmovc v6;
	v48 =	vor.u32 $0xFA0, v37;
	[tilespmem:v62+s10+$0x0] =	vst.idx.add.f32.msk $0xffff, v1;
	v62 =	vadd.s32 v57, v50  }
0x77: {  	v6 =	vmovc v8;
	vm14 =	vgt.s32 v39, $0x0;
	v47 =	vadd.s32 $0x1130, v36;
	[tilespmem:v63+s10+$0x0] =	vst.idx.add.f32.msk $0xffff, v1;
	v63 =	vadd.s32 v57, v48  }
0x78: {  	v8 =	vmovc v3;
	v39 =	vnsel vm14, $0x0, v39;
	v45 =	vor.u32 $0x12C0, v35;
	v3 =	vadd.s32 v57, v47;
	[tilespmem:v42+s10+$0x0] =	vst.idx.add.f32.msk $0xffff, v1  }
0x79: {  	v44 =	vadd.s32 $0x1450, v34;
	v39 =	vmin.u32 v39, $0x13;
	[tilespmem:v0+s10+$0x0] =	vst.idx.add.f32.msk $0xffff, v1;
	v0 =	vadd.s32 v57, v45  }
0x7a: {  	v10 =	vmovc v5;
	v5 =	vmul.u32 $0x14, v41;
	v42 =	vor.u32 $0x15E0, v39;
	[tilespmem:v2+s10+$0x0] =	vst.idx.add.f32.msk $0xffff, v1;
	v2 =	vadd.s32 v57, v44  }
0x7b: {  	v41 =	vadd.s32 $0x1770, v4;
	v4 =	vadd.s32 v57, v42;
	[tilespmem:v62+s10+$0x0] =	vst.idx.add.f32.msk $0xffff, v1  }
0x7c: {  	v5 =	vadd.s32 $0x1450, v5;
	v57 =	vadd.s32 v57, v41;
	[tilespmem:v63+s10+$0x0] =	vst.idx.add.f32.msk $0xffff, v1  }
0x7d: {  	[tilespmem:v3+s10+$0x0] =	vst.idx.add.f32.msk $0xffff, v1;
	v3 =	vadd.s32 v58, v5  }
0x7e: {  	[tilespmem:v0+s10+$0x0] =	vst.idx.add.f32.msk $0xffff, v1;
	v0 =	vadd.s32 v5, v59  }
0x7f: {  	[tilespmem:v2+s10+$0x0] =	vst.idx.add.f32.msk $0xffff, v1;
	v2 =	vadd.s32 v5, v60  }
0x80: {  	[tilespmem:v4+s10+$0x0] =	vst.idx.add.f32.msk $0xffff, v1;
	v4 =	vadd.s32 v5, v61  }
0x81: {  	v62 =	vadd.s32 v5, v56;
	[tilespmem:v57+s10+$0x0] =	vst.idx.add.f32.msk $0xffff, v1  }
0x82: {  	[tilespmem:v3+s10+$0x0] =	vst.idx.add.f32.msk $0xffff, v1;
	v3 =	vadd.s32 v5, v54  }
0x83: {  	[tilespmem:v0+s10+$0x0] =	vst.idx.add.f32.msk $0xffff, v1;
	v0 =	vadd.s32 v5, v52  }
0x84: {  	[tilespmem:v2+s10+$0x0] =	vst.idx.add.f32.msk $0xffff, v1;
	v2 =	vadd.s32 v5, v50  }
0x85: {  	[tilespmem:v4+s10+$0x0] =	vst.idx.add.f32.msk $0xffff, v1;
	v4 =	vadd.s32 v5, v48  }
0x86: {  	v63 =	vadd.s32 v5, v47;
	[tilespmem:v62+s10+$0x0] =	vst.idx.add.f32.msk $0xffff, v1  }
0x87: {  	[tilespmem:v3+s10+$0x0] =	vst.idx.add.f32.msk $0xffff, v1;
	v3 =	vadd.s32 v5, v45  }
0x88: {  	v55 =	vmul.u32 $0x14, v55;
	[tilespmem:v0+s10+$0x0] =	vst.idx.add.f32.msk $0xffff, v1;
	v0 =	vadd.s32 v5, v44  }
0x89: {  	[tilespmem:v2+s10+$0x0] =	vst.idx.add.f32.msk $0xffff, v1;
	v2 =	vadd.s32 v5, v42  }
0x8a: {  	v5 =	vadd.s32 v5, v41;
	[tilespmem:v4+s10+$0x0] =	vst.idx.add.f32.msk $0xffff, v1;
	v4 =	vadd.s32 $0x28A0, v55  }
0x8b: {  	[tilespmem:v63+s10+$0x0] =	vst.idx.add.f32.msk $0xffff, v1;
	v55 =	vadd.s32 v59, v4  }
0x8c: {  	[tilespmem:v3+s10+$0x0] =	vst.idx.add.f32.msk $0xffff, v1;
	v3 =	vadd.s32 v4, v60  }
0x8d: {  	[tilespmem:v0+s10+$0x0] =	vst.idx.add.f32.msk $0xffff, v1;
	v0 =	vadd.s32 v4, v61  }
0x8e: {  	[tilespmem:v2+s10+$0x0] =	vst.idx.add.f32.msk $0xffff, v1;
	v2 =	vadd.s32 v4, v56  }
0x8f: {  	[tilespmem:v5+s10+$0x0] =	vst.idx.add.f32.msk $0xffff, v1;
	v5 =	vadd.s32 v4, v54  }
0x90: {  	v58 =	vadd.s32 v4, v52;
	[tilespmem:v55+s10+$0x0] =	vst.idx.add.f32.msk $0xffff, v1  }
0x91: {  	[tilespmem:v3+s10+$0x0] =	vst.idx.add.f32.msk $0xffff, v1;
	v3 =	vadd.s32 v4, v50  }
0x92: {  	[tilespmem:v0+s10+$0x0] =	vst.idx.add.f32.msk $0xffff, v1;
	v0 =	vadd.s32 v4, v48  }
0x93: {  	[tilespmem:v2+s10+$0x0] =	vst.idx.add.f32.msk $0xffff, v1;
	v2 =	vadd.s32 v4, v47  }
0x94: {  	[tilespmem:v5+s10+$0x0] =	vst.idx.add.f32.msk $0xffff, v1;
	v5 =	vadd.s32 v4, v45  }
0x95: {  	v53 =	vmul.u32 $0x14, v53;
	v59 =	vadd.s32 v4, v44;
	[tilespmem:v58+s10+$0x0] =	vst.idx.add.f32.msk $0xffff, v1  }
0x96: {  	[tilespmem:v3+s10+$0x0] =	vst.idx.add.f32.msk $0xffff, v1;
	v3 =	vadd.s32 v4, v42  }
0x97: {  	v53 =	vadd.s32 $0x3B60, v53;
	[tilespmem:v0+s10+$0x0] =	vst.idx.add.f32.msk $0xffff, v1;
	v0 =	vadd.s32 v4, v41  }
0x98: {  	[tilespmem:v2+s10+$0x0] =	vst.idx.add.f32.msk $0xffff, v1;
	v2 =	vadd.s32 v60, v53  }
0x99: {  	v4 =	vadd.s32 v53, v61;
	[tilespmem:v5+s10+$0x0] =	vst.idx.add.f32.msk $0xffff, v1  }
0x9a: {  	v5 =	vadd.s32 v53, v56;
	[tilespmem:v59+s10+$0x0] =	vst.idx.add.f32.msk $0xffff, v1  }
0x9b: {  	[tilespmem:v3+s10+$0x0] =	vst.idx.add.f32.msk $0xffff, v1;
	v3 =	vadd.s32 v53, v54  }
0x9c: {  	[tilespmem:v0+s10+$0x0] =	vst.idx.add.f32.msk $0xffff, v1;
	v0 =	vadd.s32 v53, v52  }
0x9d: {  	[tilespmem:v2+s10+$0x0] =	vst.idx.add.f32.msk $0xffff, v1;
	v2 =	vadd.s32 v53, v50  }
0x9e: {  	[tilespmem:v4+s10+$0x0] =	vst.idx.add.f32.msk $0xffff, v1;
	v4 =	vadd.s32 v53, v48  }
0x9f: {  	[tilespmem:v5+s10+$0x0] =	vst.idx.add.f32.msk $0xffff, v1;
	v5 =	vadd.s32 v53, v47  }
0xa0: {  	[tilespmem:v3+s10+$0x0] =	vst.idx.add.f32.msk $0xffff, v1;
	v3 =	vadd.s32 v53, v45  }
0xa1: {  	v51 =	vmul.u32 $0x14, v51;
	[tilespmem:v0+s10+$0x0] =	vst.idx.add.f32.msk $0xffff, v1;
	v0 =	vadd.s32 v53, v44  }
0xa2: {  	[tilespmem:v2+s10+$0x0] =	vst.idx.add.f32.msk $0xffff, v1;
	v2 =	vadd.s32 v53, v42  }
0xa3: {  	v51 =	vadd.s32 $0x4C90, v51;
	[tilespmem:v4+s10+$0x0] =	vst.idx.add.f32.msk $0xffff, v1;
	v4 =	vadd.s32 v53, v41  }
0xa4: {  	[tilespmem:v5+s10+$0x0] =	vst.idx.add.f32.msk $0xffff, v1;
	v5 =	vadd.s32 v61, v51  }
0xa5: {  	[tilespmem:v3+s10+$0x0] =	vst.idx.add.f32.msk $0xffff, v1;
	v3 =	vadd.s32 v51, v56  }
0xa6: {  	[tilespmem:v0+s10+$0x0] =	vst.idx.add.f32.msk $0xffff, v1;
	v0 =	vadd.s32 v51, v54  }
0xa7: {  	[tilespmem:v2+s10+$0x0] =	vst.idx.add.f32.msk $0xffff, v1;
	v2 =	vadd.s32 v51, v52  }
0xa8: {  	[tilespmem:v4+s10+$0x0] =	vst.idx.add.f32.msk $0xffff, v1;
	v4 =	vadd.s32 v51, v50  }
0xa9: {  	[tilespmem:v5+s10+$0x0] =	vst.idx.add.f32.msk $0xffff, v1;
	v5 =	vadd.s32 v51, v48  }
0xaa: {  	[tilespmem:v3+s10+$0x0] =	vst.idx.add.f32.msk $0xffff, v1;
	v3 =	vadd.s32 v51, v47  }
0xab: {  	[tilespmem:v0+s10+$0x0] =	vst.idx.add.f32.msk $0xffff, v1;
	v0 =	vadd.s32 v51, v45  }
0xac: {  	v49 =	vmul.u32 $0x14, v49;
	[tilespmem:v2+s10+$0x0] =	vst.idx.add.f32.msk $0xffff, v1;
	v2 =	vadd.s32 v51, v44  }
0xad: {  	[tilespmem:v4+s10+$0x0] =	vst.idx.add.f32.msk $0xffff, v1;
	v4 =	vadd.s32 v51, v42  }
0xae: {  	v49 =	vadd.s32 $0x5C30, v49;
	[tilespmem:v5+s10+$0x0] =	vst.idx.add.f32.msk $0xffff, v1;
	v5 =	vadd.s32 v51, v41  }
0xaf: {  	[tilespmem:v3+s10+$0x0] =	vst.idx.add.f32.msk $0xffff, v1;
	v3 =	vadd.s32 v56, v49  }
0xb0: {  	[tilespmem:v0+s10+$0x0] =	vst.idx.add.f32.msk $0xffff, v1;
	v0 =	vadd.s32 v49, v54  }
0xb1: {  	[tilespmem:v2+s10+$0x0] =	vst.idx.add.f32.msk $0xffff, v1;
	v2 =	vadd.s32 v49, v52  }
0xb2: {  	[tilespmem:v4+s10+$0x0] =	vst.idx.add.f32.msk $0xffff, v1;
	v4 =	vadd.s32 v49, v50  }
0xb3: {  	[tilespmem:v5+s10+$0x0] =	vst.idx.add.f32.msk $0xffff, v1;
	v5 =	vadd.s32 v49, v48  }
0xb4: {  	[tilespmem:v3+s10+$0x0] =	vst.idx.add.f32.msk $0xffff, v1;
	v3 =	vadd.s32 v49, v47  }
0xb5: {  	[tilespmem:v0+s10+$0x0] =	vst.idx.add.f32.msk $0xffff, v1;
	v0 =	vadd.s32 v49, v45  }
0xb6: {  	v46 =	vmul.u32 $0x14, v46;
	[tilespmem:v2+s10+$0x0] =	vst.idx.add.f32.msk $0xffff, v1;
	v2 =	vadd.s32 v49, v44  }
0xb7: {  	[tilespmem:v4+s10+$0x0] =	vst.idx.add.f32.msk $0xffff, v1;
	v4 =	vadd.s32 v49, v42  }
0xb8: {  	v46 =	vadd.s32 $0x6A40, v46;
	[tilespmem:v5+s10+$0x0] =	vst.idx.add.f32.msk $0xffff, v1;
	v5 =	vadd.s32 v49, v41  }
0xb9: {  	[tilespmem:v3+s10+$0x0] =	vst.idx.add.f32.msk $0xffff, v1;
	v3 =	vadd.s32 v54, v46  }
0xba: {  	[tilespmem:v0+s10+$0x0] =	vst.idx.add.f32.msk $0xffff, v1;
	v0 =	vadd.s32 v46, v52  }
0xbb: {  	[tilespmem:v2+s10+$0x0] =	vst.idx.add.f32.msk $0xffff, v1;
	v2 =	vadd.s32 v46, v50  }
0xbc: {  	[tilespmem:v4+s10+$0x0] =	vst.idx.add.f32.msk $0xffff, v1;
	v4 =	vadd.s32 v46, v48  }
0xbd: {  	[tilespmem:v5+s10+$0x0] =	vst.idx.add.f32.msk $0xffff, v1;
	v5 =	vadd.s32 v46, v47  }
0xbe: {  	[tilespmem:v3+s10+$0x0] =	vst.idx.add.f32.msk $0xffff, v1;
	v3 =	vadd.s32 v46, v45  }
0xbf: {  	v43 =	vmul.u32 $0x14, v43;
	[tilespmem:v0+s10+$0x0] =	vst.idx.add.f32.msk $0xffff, v1;
	v0 =	vadd.s32 v46, v44  }
0xc0: {  	[tilespmem:v2+s10+$0x0] =	vst.idx.add.f32.msk $0xffff, v1;
	v2 =	vadd.s32 v46, v42  }
0xc1: {  	v43 =	vadd.s32 $0x76C0, v43;
	[tilespmem:v4+s10+$0x0] =	vst.idx.add.f32.msk $0xffff, v1;
	v4 =	vadd.s32 v46, v41  }
0xc2: {  	[tilespmem:v5+s10+$0x0] =	vst.idx.add.f32.msk $0xffff, v1;
	v5 =	vadd.s32 v52, v43  }
0xc3: {  	[tilespmem:v3+s10+$0x0] =	vst.idx.add.f32.msk $0xffff, v1;
	v3 =	vadd.s32 v43, v50  }
0xc4: {  	[tilespmem:v0+s10+$0x0] =	vst.idx.add.f32.msk $0xffff, v1;
	v0 =	vadd.s32 v43, v48  }
0xc5: {  	[tilespmem:v2+s10+$0x0] =	vst.idx.add.f32.msk $0xffff, v1;
	v2 =	vadd.s32 v43, v47  }
0xc6: {  	[tilespmem:v4+s10+$0x0] =	vst.idx.add.f32.msk $0xffff, v1;
	v4 =	vadd.s32 v43, v45  }
0xc7: {  	v40 =	vmul.u32 $0x14, v40;
	[tilespmem:v5+s10+$0x0] =	vst.idx.add.f32.msk $0xffff, v1;
	v5 =	vadd.s32 v43, v44  }
0xc8: {  	[tilespmem:v3+s10+$0x0] =	vst.idx.add.f32.msk $0xffff, v1;
	v3 =	vadd.s32 v43, v42  }
0xc9: {  	v40 =	vadd.s32 $0x81B0, v40;
	[tilespmem:v0+s10+$0x0] =	vst.idx.add.f32.msk $0xffff, v1;
	v0 =	vadd.s32 v43, v41  }
0xca: {  	[tilespmem:v2+s10+$0x0] =	vst.idx.add.f32.msk $0xffff, v1;
	v2 =	vadd.s32 v50, v40  }
0xcb: {  	[tilespmem:v4+s10+$0x0] =	vst.idx.add.f32.msk $0xffff, v1;
	v4 =	vadd.s32 v40, v48  }
0xcc: {  	[tilespmem:v5+s10+$0x0] =	vst.idx.add.f32.msk $0xffff, v1;
	v5 =	vadd.s32 v40, v47  }
0xcd: {  	[tilespmem:v3+s10+$0x0] =	vst.idx.add.f32.msk $0xffff, v1;
	v3 =	vadd.s32 v40, v45  }
0xce: {  	v38 =	vmul.u32 $0x14, v38;
	[tilespmem:v0+s10+$0x0] =	vst.idx.add.f32.msk $0xffff, v1;
	v0 =	vadd.s32 v40, v44  }
0xcf: {  	[tilespmem:v2+s10+$0x0] =	vst.idx.add.f32.msk $0xffff, v1;
	v2 =	vadd.s32 v40, v42  }
0xd0: {  	v38 =	vadd.s32 $0x8B10, v38;
	[tilespmem:v4+s10+$0x0] =	vst.idx.add.f32.msk $0xffff, v1;
	v4 =	vadd.s32 v40, v41  }
0xd1: {  	[tilespmem:v5+s10+$0x0] =	vst.idx.add.f32.msk $0xffff, v1;
	v5 =	vadd.s32 v48, v38  }
0xd2: {  	[tilespmem:v3+s10+$0x0] =	vst.idx.add.f32.msk $0xffff, v1;
	v3 =	vadd.s32 v38, v47  }
0xd3: {  	[tilespmem:v0+s10+$0x0] =	vst.idx.add.f32.msk $0xffff, v1;
	v0 =	vadd.s32 v38, v45  }
0xd4: {  	v37 =	vmul.u32 $0x14, v37;
	[tilespmem:v2+s10+$0x0] =	vst.idx.add.f32.msk $0xffff, v1;
	v2 =	vadd.s32 v38, v44  }
0xd5: {  	[tilespmem:v4+s10+$0x0] =	vst.idx.add.f32.msk $0xffff, v1;
	v4 =	vadd.s32 v38, v42  }
0xd6: {  	v37 =	vadd.s32 $0x92E0, v37;
	[tilespmem:v5+s10+$0x0] =	vst.idx.add.f32.msk $0xffff, v1;
	v5 =	vadd.s32 v38, v41  }
0xd7: {  	[tilespmem:v3+s10+$0x0] =	vst.idx.add.f32.msk $0xffff, v1;
	v3 =	vadd.s32 v47, v37  }
0xd8: {  	[tilespmem:v0+s10+$0x0] =	vst.idx.add.f32.msk $0xffff, v1;
	v0 =	vadd.s32 v37, v45  }
0xd9: {  	v36 =	vmul.u32 $0x14, v36;
	[tilespmem:v2+s10+$0x0] =	vst.idx.add.f32.msk $0xffff, v1;
	v2 =	vadd.s32 v37, v44  }
0xda: {  	[tilespmem:v4+s10+$0x0] =	vst.idx.add.f32.msk $0xffff, v1;
	v4 =	vadd.s32 v37, v42  }
0xdb: {  	v36 =	vadd.s32 $0x9920, v36;
	[tilespmem:v5+s10+$0x0] =	vst.idx.add.f32.msk $0xffff, v1;
	v5 =	vadd.s32 v37, v41  }
0xdc: {  	[tilespmem:v3+s10+$0x0] =	vst.idx.add.f32.msk $0xffff, v1;
	v3 =	vadd.s32 v45, v36  }
0xdd: {  	v35 =	vmul.u32 $0x14, v35;
	[tilespmem:v0+s10+$0x0] =	vst.idx.add.f32.msk $0xffff, v1;
	v0 =	vadd.s32 v36, v44  }
0xde: {  	[tilespmem:v2+s10+$0x0] =	vst.idx.add.f32.msk $0xffff, v1;
	v2 =	vadd.s32 v36, v42  }
0xdf: {  	v35 =	vadd.s32 $0x9DD0, v35;
	[tilespmem:v4+s10+$0x0] =	vst.idx.add.f32.msk $0xffff, v1;
	v4 =	vadd.s32 v36, v41  }
0xe0: {  	[tilespmem:v5+s10+$0x0] =	vst.idx.add.f32.msk $0xffff, v1;
	v5 =	vadd.s32 v44, v35  }
0xe1: {  	v34 =	vmul.u32 $0x14, v34;
	[tilespmem:v3+s10+$0x0] =	vst.idx.add.f32.msk $0xffff, v1;
	v3 =	vadd.s32 v35, v42  }
0xe2: {  	[tilespmem:v0+s10+$0x0] =	vst.idx.add.f32.msk $0xffff, v1;
	v0 =	vadd.s32 v35, v41  }
0xe3: {  	v34 =	vadd.s32 $0xA0F0, v34;
	[tilespmem:v2+s10+$0x0] =	vst.idx.add.f32.msk $0xffff, v1  }
0xe4: {  	v2 =	vadd.s32 v42, v34;
	[tilespmem:v4+s10+$0x0] =	vst.idx.add.f32.msk $0xffff, v1  }
0xe5: {  	v62 =	vmul.u32 $0x14, v39;
	[tilespmem:v5+s10+$0x0] =	vst.idx.add.f32.msk $0xffff, v1  }
0xe6: {  	v4 =	vadd.s32 v34, v41;
	[tilespmem:v3+s10+$0x0] =	vst.idx.add.f32.msk $0xffff, v1  }
0xe7: {  	v63 =	vadd.s32 v41, v62;
	[tilespmem:v0+s10+$0x0] =	vst.idx.add.f32.msk $0xffff, v1  }
0xe8: {  	v5 =	vadd.s32 $0xA280, v63;
	v0 =	vmov v11;
	v11 =	vld [tilespmem:$0x1FFC0]  }
0xe9: {  	p0 =	sne.s32 s19, $0xFF0;
	[tilespmem:v2+s10+$0x0] =	vst.idx.add.f32.msk $0xffff, v1  }
.Ltmp0:
0xea: {  	v2 =	vmov v7;
	v7 =	vld [tilespmem:$0x1FFB0];
	(pc) =	sbr.rel @p0 .LBB2_3-.Ltmp0, $4  }
0xeb: {  	[tilespmem:v4+s10+$0x0] =	vst.idx.add.f32.msk $0xffff, v1  }
0xec: {  	v4 =	vmov v9;
	v9 =	vld [tilespmem:$0x1FFD0]  }
0xed: {  	[tilespmem:v5+s10+$0x0] =	vst.idx.add.f32.msk $0xffff, v1  }
0xee: {  	s17 =	sadd.s32 $0x1, s17;
	s19 =	sadd.s32 $0x10, s19;
	s18 =	sadd.s32 $0x80, s18;
	v3 =	vmovc v8;
	v8 =	vmov v6;
	v6 =	vmov v32;
	v5 =	vmov v10;
	v10 =	vld [tilespmem:$0x1FFE0]  }
0xef: {  	s16 =	sadd.s32 $0x1, s16  }
0xf0: {  	p0 =	sne.s32 s16, $0x4  }
.Ltmp1:
0xf1: {  	_ = 	snop;
	(pc) =	sbr.rel @p0 .LBB2_2-.Ltmp1, $1  }
0xf2: {  	_ =	sdelay $0x3  }
0xf3: {  	s15 =	sadd.s32 $0x1, s15  }
0xf4: {  	p0 =	sne.s32 s15, s7  }
.Ltmp2:
0xf5: {  	_ = 	snop;
	(pc) =	sbr.rel @p0 .LBB2_1-.Ltmp2, $4  }
0xf6: {  	[hbm4b:s6+s13] =	stream.strided.scatter [tilespmem:s10], [sflag:$0x1], $0xBB80, s14, s13, $0x38;
	[tilespmem:$0x1BC80] =	vst v63  }
0xf7: {  	_ =	swait.ge [sflag:s9], $0xBB80  }
0xf8: {  	[sflag:s9] =	ssyncset.done $0x0  }
0xf9: {  	[sflag:s9] =	ssyncadd.s32 $0xFFFF4480  }
0xfa: {  	_ =	sfence.sel $0x180000  }
0xfb: {  	[bflag:$0x0] =	sbarrier.arrive $0xFFFF  }
0xfc: {  	p0 =	sne.s32 s2, $0x0;
	_ =	strace $0x90000047  }
0xfd: {  	s0 =	sadd.s32 @!p0 $0x100000, s0;
	[bflag:$0x2] =	sbarrier.arrive $0xFFFF  }
0xfe: {  	[sflag:s0] =	ssyncadd.tile.s32 @!p0 $0x1;
	_ =	shalt  }
.Lfunc_end2:
_tile_overlayer_lowered:
.L_overlay_start_2:
0xff: {  	(tag) =	ssettag $0x2  }
0x100: {  	s0 =	rddreg [dreg:$0x0];
	s2 =	stileid.u32  }
0x101: {  	s1 =	rddreg [dreg:$0x1];
	p0 =	sne.s32 s2, $0x0  }
0x102: {  	s3 =	rddreg [dreg:$0x2];
	[bflag:$0x3] =	sbarrier.arrive $0xFFFF;
	s2 =	simm.s32 @!p0 $0x1C01  }
0x103: {  	[timem:s3], [sflag:s2] =	dma.local @!p0 [hbm:s0], s1  }
0x104: {  	s0 =	simm.s32 @!p0 $0x1  }
0x105: {  	_ =	swait.ge @!p0 [sflag:s0], s1  }
0x106: {  	s1 =	ssub.s32 @!p0 $0x0, s1;
	[sflag:s0] =	ssyncset.done @!p0 $0x0  }
0x107: {  	[sflag:s0] =	ssyncadd.s32 @!p0 s1  }
0x108: {  	[bflag:$0x3] =	sbarrier.arrive $0xFFFF  }
0x109: {  	_ =	shalt  }

</sc_bundles>
